<compile_context>
chip_gen: v7x
topology: tpu7x:2x2x1
jax: 0.10.2.dev20260603
libtpu: 0.0.44.dev20260713+nightly
codegen_flags: <defaults>
</compile_context>

<pallas_src>
import functools

import jax
import jax.numpy as jnp
import numpy as np
from jax import lax
from jax.experimental import pallas as pl
from jax.experimental.pallas import tpu as pltpu
from jax.experimental.pallas import tpu_sc as plsc

N = 10000
E = 320000
F_IN = 128
HID = 16
HEADS = 8
NUM_CLASSES = 40

D1 = HEADS * HID + 16
D2 = 48
CHUNK = 128
NCHUNKS = E // CHUNK
NWORKERS = 32
N_PAD = 10240
ROWS_PER_TILE = N_PAD // 16

_PERM = np.array([(j % HEADS) * HID + j // HEADS for j in range(HEADS * HID)],
                 dtype=np.int32)
_OH = np.equal(np.arange(HEADS * HID)[:, None] % HEADS,
               np.arange(HEADS)[None, :]).astype(np.float32)


def _leaky(x):
    return jnp.maximum(x, 0.2 * x)


def _tc1_body(x_ref, w_ref, asp_ref, adp_ref, t1_ref, a1d_ref, c1_ref,
              msd_ref):
    i = pl.program_id(0)
    nsteps = pl.num_programs(0)
    h = jnp.dot(x_ref[...], w_ref[...], preferred_element_type=jnp.float32)
    a_s = jnp.dot(h, asp_ref[...], preferred_element_type=jnp.float32)
    a_d = jnp.dot(h, adp_ref[...], preferred_element_type=jnp.float32)
    t1_ref[...] = jnp.concatenate([h, a_s, a_s], axis=1)
    a1d_ref[...] = jnp.concatenate([a_d, a_d], axis=1)
    msd = jnp.concatenate([jnp.max(a_s, axis=0),
                           jnp.max(a_d, axis=0)]).reshape(1, 16)

    @pl.when(i == 0)
    def _():
        msd_ref[...] = msd

    @pl.when(i > 0)
    def _():
        msd_ref[...] = jnp.maximum(msd_ref[...], msd)

    @pl.when(i == nsteps - 1)
    def _():
        s = msd_ref[0, 0:8] + msd_ref[0, 8:16]
        c = _leaky(s)
        c1_ref[...] = jnp.concatenate([c, c]).reshape(1, 16)


def _tc2_body(acc_ref, t1_ref, a1d_ref, c1_ref, b1p_ref, w2p_ref, as2_ref,
              ad2_ref, t2_ref, a2s_ref, a2d_ref, c2_ref, msd_ref):
    i = pl.program_id(0)
    nsteps = pl.num_programs(0)
    accs = acc_ref[0] + acc_ref[1]
    num = accs[:, 0:128]
    den8 = accs[:, 128:136]
    a_s = t1_ref[:, 128:136]
    a_d = a1d_ref[:, 0:8]
    p_self = jnp.exp(_leaky(a_s + a_d) - c1_ref[0:1, 0:8])
    h1 = t1_ref[:, 0:128]
    p_tiled = jnp.concatenate([p_self] * 16, axis=1)
    den = den8 + p_self
    den_t = jnp.concatenate([den] * 16, axis=1)
    out1 = (num + p_tiled * h1) / den_t
    z = out1 + b1p_ref[0:1, :]
    x2 = jnp.where(z > 0, z, jnp.exp(z) - 1.0)
    h2 = jnp.dot(x2, w2p_ref[...], preferred_element_type=jnp.float32)
    a2s = jnp.dot(h2, as2_ref[...], preferred_element_type=jnp.float32)
    a2d = jnp.dot(h2, ad2_ref[...], preferred_element_type=jnp.float32)
    ones = jnp.ones((h2.shape[0], 1), jnp.float32)
    zeros = jnp.zeros((h2.shape[0], 7), jnp.float32)
    t2_ref[...] = jnp.concatenate([h2, ones, zeros], axis=1)
    a2s_ref[...] = jnp.concatenate([a2s] * 16, axis=1)
    a2d_ref[...] = jnp.concatenate([a2d] * 16, axis=1)
    msd = jnp.concatenate([jnp.max(a2s, axis=0),
                           jnp.max(a2d, axis=0)]).reshape(1, 2)

    @pl.when(i == 0)
    def _():
        msd_ref[...] = msd

    @pl.when(i > 0)
    def _():
        msd_ref[...] = jnp.maximum(msd_ref[...], msd)

    @pl.when(i == nsteps - 1)
    def _():
        c2 = _leaky(msd_ref[0, 0:1] + msd_ref[0, 1:2])
        c2_ref[...] = jnp.broadcast_to(c2.reshape(1, 1), (1, 16))


def _tc3_body(acc_ref, t2_ref, a2s_ref, a2d_ref, c2_ref, b2_ref, out_ref):
    accs = acc_ref[0] + acc_ref[1]
    num = accs[:, 0:40]
    den = accs[:, 40:41]
    a_s = a2s_ref[:, 0:1]
    a_d = a2d_ref[:, 0:1]
    p_self = jnp.exp(_leaky(a_s + a_d) - c2_ref[0:1, 0:1])
    h2 = t2_ref[:, 0:40]
    o = (num + p_self * h2) / (den + p_self) + b2_ref[0:1, :]
    m = jnp.max(o, axis=1, keepdims=True)
    lo = o - m
    out_ref[...] = lo - jnp.log(jnp.sum(jnp.exp(lo), axis=1, keepdims=True))


_MESH = plsc.VectorSubcoreMesh(core_axis_name="c", subcore_axis_name="s",
                               num_cores=2, num_subcores=16)


@functools.partial(
    pl.kernel,
    out_type=jax.ShapeDtypeStruct((2, N_PAD, D1), jnp.float32),
    mesh=_MESH,
    compiler_params=pltpu.CompilerParams(use_tc_tiling_on_sc=False),
    scratch_types=[
        pltpu.VMEM((CHUNK,), jnp.int32),
        pltpu.VMEM((CHUNK,), jnp.int32),
        pltpu.VMEM((CHUNK, D1), jnp.float32),
        pltpu.VMEM((CHUNK, 16), jnp.float32),
        pltpu.VMEM((16,), jnp.float32),
        pltpu.VMEM_SHARED((N_PAD, D1), jnp.float32),
        pltpu.SemaphoreType.DMA,
        pltpu.SemaphoreType.DMA,
    ],
)
def _sc_edge_pass1(src_hbm, dst_hbm, t1_hbm, a1d_hbm, c1_hbm, zero_hbm,
                   out_hbm, idx_s, idx_d, rows, adrows, cvec, acc, sem1, sem2):
    cid = lax.axis_index("c")
    sid = lax.axis_index("s")
    w = sid * 2 + cid
    pltpu.sync_copy(c1_hbm, cvec)
    pltpu.sync_copy(zero_hbm.at[pl.ds(sid * ROWS_PER_TILE, ROWS_PER_TILE)],
                    acc.at[pl.ds(sid * ROWS_PER_TILE, ROWS_PER_TILE)])
    plsc.subcore_barrier()

    nch = (NCHUNKS - w + NWORKERS - 1) // NWORKERS

    def chunk_body(i, _):
        ch = w + i * NWORKERS
        pltpu.sync_copy(src_hbm.at[pl.ds(ch * CHUNK, CHUNK)], idx_s)
        pltpu.sync_copy(dst_hbm.at[pl.ds(ch * CHUNK, CHUNK)], idx_d)
        cp1 = pltpu.async_copy(t1_hbm.at[idx_s], rows, sem1)
        cp2 = pltpu.async_copy(a1d_hbm.at[idx_d], adrows, sem2)
        cp1.wait()
        cp2.wait()
        cv = cvec[...]

        def edge_body(k, _):
            a_s = rows[k, pl.ds(128, 16)]
            a_d = adrows[k, :]
            p = jnp.exp(_leaky(a_s + a_d) - cv)
            rows[k, pl.ds(128, 16)] = p
            for j in range(8):
                rows[k, pl.ds(j * 16, 16)] = rows[k, pl.ds(j * 16, 16)] * p
            return 0

        lax.fori_loop(0, CHUNK, edge_body, 0, unroll=2)
        pltpu.sync_copy(rows, acc.at[idx_d], add=True)
        return 0

    lax.fori_loop(0, nch, chunk_body, 0)
    plsc.subcore_barrier()
    pltpu.sync_copy(acc.at[pl.ds(sid * ROWS_PER_TILE, ROWS_PER_TILE)],
                    out_hbm.at[cid, pl.ds(sid * ROWS_PER_TILE, ROWS_PER_TILE)])


@functools.partial(
    pl.kernel,
    out_type=jax.ShapeDtypeStruct((2, N_PAD, D2), jnp.float32),
    mesh=_MESH,
    compiler_params=pltpu.CompilerParams(use_tc_tiling_on_sc=False),
    scratch_types=[
        pltpu.VMEM((CHUNK,), jnp.int32),
        pltpu.VMEM((CHUNK,), jnp.int32),
        pltpu.VMEM((CHUNK, D2), jnp.float32),
        pltpu.VMEM((CHUNK, 16), jnp.float32),
        pltpu.VMEM((CHUNK, 16), jnp.float32),
        pltpu.VMEM((16,), jnp.float32),
        pltpu.VMEM_SHARED((N_PAD, D2), jnp.float32),
        pltpu.SemaphoreType.DMA,
        pltpu.SemaphoreType.DMA,
        pltpu.SemaphoreType.DMA,
    ],
)
def _sc_edge_pass2(src_hbm, dst_hbm, t2_hbm, a2s_hbm, a2d_hbm, c2_hbm,
                   zero_hbm, out_hbm, idx_s, idx_d, rows, asrows, adrows,
                   cvec, acc, sem1, sem2, sem3):
    cid = lax.axis_index("c")
    sid = lax.axis_index("s")
    w = sid * 2 + cid
    pltpu.sync_copy(c2_hbm, cvec)
    pltpu.sync_copy(zero_hbm.at[pl.ds(sid * ROWS_PER_TILE, ROWS_PER_TILE)],
                    acc.at[pl.ds(sid * ROWS_PER_TILE, ROWS_PER_TILE)])
    plsc.subcore_barrier()

    nch = (NCHUNKS - w + NWORKERS - 1) // NWORKERS

    def chunk_body(i, _):
        ch = w + i * NWORKERS
        pltpu.sync_copy(src_hbm.at[pl.ds(ch * CHUNK, CHUNK)], idx_s)
        pltpu.sync_copy(dst_hbm.at[pl.ds(ch * CHUNK, CHUNK)], idx_d)
        cp1 = pltpu.async_copy(t2_hbm.at[idx_s], rows, sem1)
        cp2 = pltpu.async_copy(a2s_hbm.at[idx_s], asrows, sem2)
        cp3 = pltpu.async_copy(a2d_hbm.at[idx_d], adrows, sem3)
        cp1.wait()
        cp2.wait()
        cp3.wait()
        cv = cvec[...]

        def edge_body(k, _):
            a_s = asrows[k, :]
            a_d = adrows[k, :]
            p = jnp.exp(_leaky(a_s + a_d) - cv)
            for j in range(3):
                rows[k, pl.ds(j * 16, 16)] = rows[k, pl.ds(j * 16, 16)] * p
            return 0

        lax.fori_loop(0, CHUNK, edge_body, 0, unroll=2)
        pltpu.sync_copy(rows, acc.at[idx_d], add=True)
        return 0

    lax.fori_loop(0, nch, chunk_body, 0)
    plsc.subcore_barrier()
    pltpu.sync_copy(acc.at[pl.ds(sid * ROWS_PER_TILE, ROWS_PER_TILE)],
                    out_hbm.at[cid, pl.ds(sid * ROWS_PER_TILE, ROWS_PER_TILE)])


def kernel(x, edge_index, W1, att_src1, att_dst1, b1, W2, att_src2, att_dst2,
           b2):
    src1d = edge_index[0]
    dst1d = edge_index[1]

    perm = jnp.asarray(_PERM)
    W1p = W1[:, perm]
    b1p = b1[perm].reshape(1, HEADS * HID)
    W2p = W2[perm, :]
    att_s1p = att_src1.reshape(HEADS * HID)[perm]
    att_d1p = att_dst1.reshape(HEADS * HID)[perm]
    oh = jnp.asarray(_OH)
    Asp = att_s1p[:, None] * oh
    Adp = att_d1p[:, None] * oh
    As2 = att_src2.reshape(NUM_CLASSES, 1)
    Ad2 = att_dst2.reshape(NUM_CLASSES, 1)
    b2r = b2.reshape(1, NUM_CLASSES)

    f32 = jnp.float32
    B = 1000
    nb = N // B
    t1, a1d, c1, _ = pl.pallas_call(
        _tc1_body,
        grid=(nb,),
        in_specs=[
            pl.BlockSpec((B, F_IN), lambda i: (i, 0)),
            pl.BlockSpec((F_IN, F_IN), lambda i: (0, 0)),
            pl.BlockSpec((F_IN, HEADS), lambda i: (0, 0)),
            pl.BlockSpec((F_IN, HEADS), lambda i: (0, 0)),
        ],
        out_specs=[
            pl.BlockSpec((B, D1), lambda i: (i, 0)),
            pl.BlockSpec((B, 16), lambda i: (i, 0)),
            pl.BlockSpec((1, 16), lambda i: (0, 0)),
            pl.BlockSpec((1, 16), lambda i: (0, 0)),
        ],
        out_shape=[
            jax.ShapeDtypeStruct((N, D1), f32),
            jax.ShapeDtypeStruct((N, 16), f32),
            jax.ShapeDtypeStruct((1, 16), f32),
            jax.ShapeDtypeStruct((1, 16), f32),
        ],
    )(x, W1p, Asp, Adp)

    zero1 = jnp.zeros((N_PAD, D1), f32)
    acc1 = _sc_edge_pass1(src1d, dst1d, t1, a1d, c1.reshape(16), zero1)

    acc1 = acc1[:, :N, :]
    t2, a2s, a2d, c2, _ = pl.pallas_call(
        _tc2_body,
        grid=(nb,),
        in_specs=[
            pl.BlockSpec((2, B, D1), lambda i: (0, i, 0)),
            pl.BlockSpec((B, D1), lambda i: (i, 0)),
            pl.BlockSpec((B, 16), lambda i: (i, 0)),
            pl.BlockSpec((1, 16), lambda i: (0, 0)),
            pl.BlockSpec((1, F_IN), lambda i: (0, 0)),
            pl.BlockSpec((F_IN, NUM_CLASSES), lambda i: (0, 0)),
            pl.BlockSpec((NUM_CLASSES, 1), lambda i: (0, 0)),
            pl.BlockSpec((NUM_CLASSES, 1), lambda i: (0, 0)),
        ],
        out_specs=[
            pl.BlockSpec((B, D2), lambda i: (i, 0)),
            pl.BlockSpec((B, 16), lambda i: (i, 0)),
            pl.BlockSpec((B, 16), lambda i: (i, 0)),
            pl.BlockSpec((1, 16), lambda i: (0, 0)),
            pl.BlockSpec((1, 2), lambda i: (0, 0)),
        ],
        out_shape=[
            jax.ShapeDtypeStruct((N, D2), f32),
            jax.ShapeDtypeStruct((N, 16), f32),
            jax.ShapeDtypeStruct((N, 16), f32),
            jax.ShapeDtypeStruct((1, 16), f32),
            jax.ShapeDtypeStruct((1, 2), f32),
        ],
    )(acc1, t1, a1d, c1, b1p, W2p, As2, Ad2)

    zero2 = jnp.zeros((N_PAD, D2), f32)
    acc2 = _sc_edge_pass2(src1d, dst1d, t2, a2s, a2d, c2.reshape(16), zero2)

    acc2 = acc2[:, :N, :]
    out = pl.pallas_call(
        _tc3_body,
        grid=(nb,),
        in_specs=[
            pl.BlockSpec((2, B, D2), lambda i: (0, i, 0)),
            pl.BlockSpec((B, D2), lambda i: (i, 0)),
            pl.BlockSpec((B, 16), lambda i: (i, 0)),
            pl.BlockSpec((B, 16), lambda i: (i, 0)),
            pl.BlockSpec((1, 16), lambda i: (0, 0)),
            pl.BlockSpec((1, NUM_CLASSES), lambda i: (0, 0)),
        ],
        out_specs=pl.BlockSpec((B, NUM_CLASSES), lambda i: (i, 0)),
        out_shape=jax.ShapeDtypeStruct((N, NUM_CLASSES), f32),
    )(acc2, t2, a2s, a2d, c2, b2r)
    return out

# --- scband reference (transcript-rebuilt; emitter-appended) ---
"""Pipeline reference for scband-gat-41154376631082 (READ-ONLY COPY).

The authoritative reference and input builder live on the scoring server;
editing this copy changes nothing except your own understanding.
"""

import jax, jax.numpy as jnp
import numpy as np

N = 10000
E = 320000
F_IN = 128
HID = 16
HEADS = 8
NUM_CLASSES = 40


def setup_inputs(seed: int = 0) -> dict:
    key = jax.random.key(seed)
    ks = jax.random.split(key, 12)
    x = jax.random.normal(ks[0], (N, F_IN), dtype=jnp.float32)
    edge_index = jax.random.randint(ks[1], (2, E), 0, N, dtype=jnp.int32)
    W1 = jax.random.normal(ks[2], (F_IN, HEADS * HID), dtype=jnp.float32) * (1.0 / np.sqrt(F_IN))
    att_src1 = jax.random.normal(ks[3], (1, HEADS, HID), dtype=jnp.float32) * 0.1
    att_dst1 = jax.random.normal(ks[4], (1, HEADS, HID), dtype=jnp.float32) * 0.1
    b1 = jnp.zeros((HEADS * HID,), dtype=jnp.float32)
    W2 = jax.random.normal(ks[5], (HEADS * HID, NUM_CLASSES), dtype=jnp.float32) * (1.0 / np.sqrt(HEADS * HID))
    att_src2 = jax.random.normal(ks[6], (1, 1, NUM_CLASSES), dtype=jnp.float32) * 0.1
    att_dst2 = jax.random.normal(ks[7], (1, 1, NUM_CLASSES), dtype=jnp.float32) * 0.1
    b2 = jnp.zeros((NUM_CLASSES,), dtype=jnp.float32)
    return {"x": x, "edge_index": edge_index, "W1": W1, "att_src1": att_src1, "att_dst1": att_dst1, "b1": b1, "W2": W2, "att_src2": att_src2, "att_dst2": att_dst2, "b2": b2}


def gat_conv(x, edge_index, W, att_src, att_dst, bias, heads, out_ch):
    src = edge_index[0]
    dst = edge_index[1]
    loops = jnp.arange(N, dtype=src.dtype)
    src = jnp.concatenate([src, loops])
    dst = jnp.concatenate([dst, loops])
    h = (x @ W).reshape(N, heads, out_ch)
    a_src = (h * att_src).sum(-1)  # [N, H]
    a_dst = (h * att_dst).sum(-1)  # [N, H]
    e = jax.nn.leaky_relu(a_src[src] + a_dst[dst], 0.2)  # [E, H]
    m = jax.ops.segment_max(e, dst, num_segments=N)
    m = jnp.where(jnp.isfinite(m), m, 0.0)
    p = jnp.exp(e - m[dst])
    s = jax.ops.segment_sum(p, dst, num_segments=N)
    alpha = p / (s[dst] + 1e-16)
    out = jax.ops.segment_sum(h[src] * alpha[:, :, None], dst, num_segments=N)
    return out.reshape(N, heads * out_ch) + bias


def reference(x, edge_index, W1, att_src1, att_dst1, b1, W2, att_src2, att_dst2, b2):
    h = gat_conv(x, edge_index, W1, att_src1, att_dst1, b1, HEADS, HID)
    h = jax.nn.elu(h)
    o = gat_conv(h, edge_index, W2, att_src2, att_dst2, b2, 1, NUM_CLASSES)
    return jax.nn.log_softmax(o, axis=1)

if __name__ == "__main__":
    import jax
    _d = setup_inputs()
    print(jax.jit(kernel)(*tuple(_d.values())))

</pallas_src>

<mosaic_0001>
#map = affine_map<(d0, d1) -> (0)>
#map1 = affine_map<(d0, d1) -> (0, 0)>
#map2 = affine_map<(d0, d1) -> (0, 0, 0)>
module attributes {stable_mosaic.version = 14 : i64} {
  func.func @_sc_edge_pass1(%arg0: i32, %arg1: i32, %arg2: memref<320000xi32, #tpu.memory_space<hbm>>, %arg3: memref<320000xi32, #tpu.memory_space<hbm>>, %arg4: memref<10000x144xf32, #tpu.memory_space<hbm>>, %arg5: memref<10000x16xf32, #tpu.memory_space<hbm>>, %arg6: memref<16xf32, #tpu.memory_space<hbm>>, %arg7: memref<10240x144xf32, #tpu.memory_space<hbm>>, %arg8: memref<2x10240x144xf32, #tpu.memory_space<hbm>>, %arg9: memref<128xi32, #tpu.memory_space<vmem>>, %arg10: memref<128xi32, #tpu.memory_space<vmem>>, %arg11: memref<128x144xf32, #tpu.memory_space<vmem>>, %arg12: memref<128x16xf32, #tpu.memory_space<vmem>>, %arg13: memref<16xf32, #tpu.memory_space<vmem>>, %arg14: memref<10240x144xf32, #tpu.memory_space<vmem_shared>>, %arg15: memref<!tpu.dma_semaphore, #tpu.memory_space<semaphore_mem>>, %arg16: memref<!tpu.dma_semaphore, #tpu.memory_space<semaphore_mem>>) attributes {dimension_semantics = [#tpu.dimension_semantics<core_parallel>, #tpu.dimension_semantics<subcore_parallel>], iteration_bounds = array<i64: 2, 16>, scalar_prefetch = 0 : i64, scratch_operands = 8 : i64, tpu.core_type = #tpu.core_type<sc_vector_subcore>, window_params = [{transform_indices = #map}, {transform_indices = #map}, {transform_indices = #map1}, {transform_indices = #map1}, {transform_indices = #map}, {transform_indices = #map1}, {transform_indices = #map2}]} {
    %mul3A = arith.constant 2 : i32
    %mul3A_0 = arith.muli %arg1, %mul3A : i32
    %add3A = arith.addi %mul3A_0, %arg0 : i32
    "tpu.region"() ({
      %run_scoped3A = tpu.sem_alloc : memref<!tpu.dma_semaphore, #tpu.memory_space<semaphore_mem>>
      tpu.enqueue_dma source(%arg6 : memref<16xf32, #tpu.memory_space<hbm>>) target(%arg13 : memref<16xf32, #tpu.memory_space<vmem>>) target_semaphore(%run_scoped3A : memref<!tpu.dma_semaphore, #tpu.memory_space<semaphore_mem>>)
      tpu.wait_dma2 semaphore(%run_scoped3A : memref<!tpu.dma_semaphore, #tpu.memory_space<semaphore_mem>>) src(%arg6 : memref<16xf32, #tpu.memory_space<hbm>>) dst(%arg13 : memref<16xf32, #tpu.memory_space<vmem>>)
      tpu.yield
    }) : () -> ()
    %mul3A_1 = arith.constant 640 : i32
    %mul3A_2 = arith.muli %arg1, %mul3A_1 : i32
    %mul3A_3 = arith.constant 640 : i32
    %mul3A_4 = arith.muli %arg1, %mul3A_3 : i32
    "tpu.region"() ({
      %run_scoped3A = tpu.sem_alloc : memref<!tpu.dma_semaphore, #tpu.memory_space<semaphore_mem>>
      %dma_start3A = arith.constant 0 : i32
      %dma_start3A_43 = tpu.memref_slice %arg14[%mul3A_4, %dma_start3A] : memref<10240x144xf32, #tpu.memory_space<vmem_shared>> -> memref<640x144xf32, #tpu.memory_space<vmem_shared>>
      %dma_start3A_44 = arith.constant 0 : i32
      %dma_start3A_45 = tpu.memref_slice %arg7[%mul3A_2, %dma_start3A_44] : memref<10240x144xf32, #tpu.memory_space<hbm>> -> memref<640x144xf32, #tpu.memory_space<hbm>>
      tpu.enqueue_dma source(%dma_start3A_45 : memref<640x144xf32, #tpu.memory_space<hbm>>) target(%dma_start3A_43 : memref<640x144xf32, #tpu.memory_space<vmem_shared>>) target_semaphore(%run_scoped3A : memref<!tpu.dma_semaphore, #tpu.memory_space<semaphore_mem>>)
      %dma_wait3A = arith.constant 0 : i32
      %dma_wait3A_46 = tpu.memref_slice %arg14[%mul3A_4, %dma_wait3A] : memref<10240x144xf32, #tpu.memory_space<vmem_shared>> -> memref<640x144xf32, #tpu.memory_space<vmem_shared>>
      %dma_wait3A_47 = arith.constant 0 : i32
      %dma_wait3A_48 = tpu.memref_slice %arg7[%mul3A_2, %dma_wait3A_47] : memref<10240x144xf32, #tpu.memory_space<hbm>> -> memref<640x144xf32, #tpu.memory_space<hbm>>
      tpu.wait_dma2 semaphore(%run_scoped3A : memref<!tpu.dma_semaphore, #tpu.memory_space<semaphore_mem>>) src(%dma_wait3A_48 : memref<640x144xf32, #tpu.memory_space<hbm>>) dst(%dma_wait3A_46 : memref<640x144xf32, #tpu.memory_space<vmem_shared>>)
      tpu.yield
    }) : () -> ()
    %barrier3A = arith.constant 0 : index
    tpu.barrier barrier_id(%barrier3A)
    %sub3A = arith.constant 2500 : i32
    %sub3A_5 = arith.subi %sub3A, %add3A : i32
    %add3A_6 = arith.constant 32 : i32
    %add3A_7 = arith.addi %sub3A_5, %add3A_6 : i32
    %sub3A_8 = arith.constant 1 : i32
    %sub3A_9 = arith.subi %add3A_7, %sub3A_8 : i32
    %jit3A = arith.constant 32 : i32
    %div3A = arith.divsi %sub3A_9, %jit3A : i32
    %sign3A = arith.constant 0 : i32
    %sign3A_10 = arith.cmpi sgt, %sub3A_9, %sign3A : i32
    %sign3A_11 = arith.extui %sign3A_10 : i1 to i32
    %sign3A_12 = arith.constant 0 : i32
    %sign3A_13 = arith.cmpi slt, %sub3A_9, %sign3A_12 : i32
    %sign3A_14 = arith.extui %sign3A_13 : i1 to i32
    %sign3A_15 = arith.subi %sign3A_11, %sign3A_14 : i32
    %sign3A_16 = arith.constant 0 : i32
    %sign3A_17 = arith.cmpi sgt, %jit3A, %sign3A_16 : i32
    %sign3A_18 = arith.extui %sign3A_17 : i1 to i32
    %sign3A_19 = arith.constant 0 : i32
    %sign3A_20 = arith.cmpi slt, %jit3A, %sign3A_19 : i32
    %sign3A_21 = arith.extui %sign3A_20 : i1 to i32
    %sign3A_22 = arith.subi %sign3A_18, %sign3A_21 : i32
    %ne3A = arith.cmpi ne, %sign3A_15, %sign3A_22 : i32
    %rem3A = arith.remsi %sub3A_9, %jit3A : i32
    %ne3A_23 = arith.constant 0 : i32
    %ne3A_24 = arith.cmpi ne, %rem3A, %ne3A_23 : i32
    %and3A = arith.andi %ne3A, %ne3A_24 : i1
    %sub3A_25 = arith.constant 1 : i32
    %sub3A_26 = arith.subi %div3A, %sub3A_25 : i32
    %select_n3A = arith.select %and3A, %sub3A_26, %div3A : i32
    %while3A = arith.constant 0 : i32
    %while3A_27 = arith.constant 0 : i32
    %while3A_28 = arith.subi %select_n3A, %while3A : i32
    %while3A_29 = arith.addi %while3A, %while3A_28 : i32
    %while3A_30 = arith.constant 1 : i32
    %while3A_31 = arith.divsi %while3A_28, %while3A_30 : i32
    %while3A_32 = arith.muli %while3A_31, %while3A_30 : i32
    %while3A_33 = arith.addi %while3A, %while3A_32 : i32
    %while3A_34 = arith.constant 1 : i32
    %while3A_35 = scf.for %while3A_43 = %while3A to %while3A_33 step %while3A_34 iter_args(%while3A_44 = %while3A_27) -> (i32)  : i32 {
      %mul3A_45 = arith.constant 32 : i32
      %mul3A_46 = arith.muli %while3A_43, %mul3A_45 : i32
      %add3A_47 = arith.addi %add3A, %mul3A_46 : i32
      %mul3A_48 = arith.constant 128 : i32
      %mul3A_49 = arith.muli %add3A_47, %mul3A_48 : i32
      "tpu.region"() ({
        %run_scoped3A = tpu.sem_alloc : memref<!tpu.dma_semaphore, #tpu.memory_space<semaphore_mem>>
        %dma_start3A_71 = tpu.memref_slice %arg2[%mul3A_49] : memref<320000xi32, #tpu.memory_space<hbm>> -> memref<128xi32, #tpu.memory_space<hbm>>
        %dma_start3A_72 = tpu.memref_slice %arg2[%mul3A_49] : memref<320000xi32, #tpu.memory_space<hbm>> -> memref<128xi32, #tpu.memory_space<hbm>>
        tpu.enqueue_dma source(%dma_start3A_72 : memref<128xi32, #tpu.memory_space<hbm>>) target(%arg9 : memref<128xi32, #tpu.memory_space<vmem>>) target_semaphore(%run_scoped3A : memref<!tpu.dma_semaphore, #tpu.memory_space<semaphore_mem>>)
        %dma_wait3A_73 = tpu.memref_slice %arg2[%mul3A_49] : memref<320000xi32, #tpu.memory_space<hbm>> -> memref<128xi32, #tpu.memory_space<hbm>>
        %dma_wait3A_74 = tpu.memref_slice %arg2[%mul3A_49] : memref<320000xi32, #tpu.memory_space<hbm>> -> memref<128xi32, #tpu.memory_space<hbm>>
        tpu.wait_dma2 semaphore(%run_scoped3A : memref<!tpu.dma_semaphore, #tpu.memory_space<semaphore_mem>>) src(%dma_wait3A_74 : memref<128xi32, #tpu.memory_space<hbm>>) dst(%arg9 : memref<128xi32, #tpu.memory_space<vmem>>)
        tpu.yield
      }) : () -> ()
      %mul3A_50 = arith.constant 128 : i32
      %mul3A_51 = arith.muli %add3A_47, %mul3A_50 : i32
      "tpu.region"() ({
        %run_scoped3A = tpu.sem_alloc : memref<!tpu.dma_semaphore, #tpu.memory_space<semaphore_mem>>
        %dma_start3A_71 = tpu.memref_slice %arg3[%mul3A_51] : memref<320000xi32, #tpu.memory_space<hbm>> -> memref<128xi32, #tpu.memory_space<hbm>>
        %dma_start3A_72 = tpu.memref_slice %arg3[%mul3A_51] : memref<320000xi32, #tpu.memory_space<hbm>> -> memref<128xi32, #tpu.memory_space<hbm>>
        tpu.enqueue_dma source(%dma_start3A_72 : memref<128xi32, #tpu.memory_space<hbm>>) target(%arg10 : memref<128xi32, #tpu.memory_space<vmem>>) target_semaphore(%run_scoped3A : memref<!tpu.dma_semaphore, #tpu.memory_space<semaphore_mem>>)
        %dma_wait3A_73 = tpu.memref_slice %arg3[%mul3A_51] : memref<320000xi32, #tpu.memory_space<hbm>> -> memref<128xi32, #tpu.memory_space<hbm>>
        %dma_wait3A_74 = tpu.memref_slice %arg3[%mul3A_51] : memref<320000xi32, #tpu.memory_space<hbm>> -> memref<128xi32, #tpu.memory_space<hbm>>
        tpu.wait_dma2 semaphore(%run_scoped3A : memref<!tpu.dma_semaphore, #tpu.memory_space<semaphore_mem>>) src(%dma_wait3A_74 : memref<128xi32, #tpu.memory_space<hbm>>) dst(%arg10 : memref<128xi32, #tpu.memory_space<vmem>>)
        tpu.yield
      }) : () -> ()
      %dma_start3A = arith.constant 0 : i32
      %dma_start3A_52 = arith.constant 0 : i32
      %dma_start3A_53 = tpu.memref_slice %arg4[%dma_start3A, %dma_start3A_52] : memref<10000x144xf32, #tpu.memory_space<hbm>> -> memref<10000x144xf32, #tpu.memory_space<hbm>>
      tpu.enqueue_indirect_dma source(%dma_start3A_53 : memref<10000x144xf32, #tpu.memory_space<hbm>>) target(%arg11 : memref<128x144xf32, #tpu.memory_space<vmem>>) offsets(%arg9 : memref<128xi32, #tpu.memory_space<vmem>>) semaphore(%arg15 : memref<!tpu.dma_semaphore, #tpu.memory_space<semaphore_mem>>)
      %dma_start3A_54 = arith.constant 0 : i32
      %dma_start3A_55 = arith.constant 0 : i32
      %dma_start3A_56 = tpu.memref_slice %arg5[%dma_start3A_54, %dma_start3A_55] : memref<10000x16xf32, #tpu.memory_space<hbm>> -> memref<10000x16xf32, #tpu.memory_space<hbm>>
      tpu.enqueue_indirect_dma source(%dma_start3A_56 : memref<10000x16xf32, #tpu.memory_space<hbm>>) target(%arg12 : memref<128x16xf32, #tpu.memory_space<vmem>>) offsets(%arg10 : memref<128xi32, #tpu.memory_space<vmem>>) semaphore(%arg16 : memref<!tpu.dma_semaphore, #tpu.memory_space<semaphore_mem>>)
      %dma_wait3A = arith.constant 0 : i32
      %dma_wait3A_57 = arith.constant 0 : i32
      %dma_wait3A_58 = tpu.memref_slice %arg4[%dma_wait3A, %dma_wait3A_57] : memref<10000x144xf32, #tpu.memory_space<hbm>> -> memref<10000x144xf32, #tpu.memory_space<hbm>>
      tpu.wait_indirect_dma semaphore(%arg15 : memref<!tpu.dma_semaphore, #tpu.memory_space<semaphore_mem>>) src(%dma_wait3A_58 : memref<10000x144xf32, #tpu.memory_space<hbm>>) dst(%arg11 : memref<128x144xf32, #tpu.memory_space<vmem>>)
      %dma_wait3A_59 = arith.constant 0 : i32
      %dma_wait3A_60 = arith.constant 0 : i32
      %dma_wait3A_61 = tpu.memref_slice %arg5[%dma_wait3A_59, %dma_wait3A_60] : memref<10000x16xf32, #tpu.memory_space<hbm>> -> memref<10000x16xf32, #tpu.memory_space<hbm>>
      tpu.wait_indirect_dma semaphore(%arg16 : memref<!tpu.dma_semaphore, #tpu.memory_space<semaphore_mem>>) src(%dma_wait3A_61 : memref<10000x16xf32, #tpu.memory_space<hbm>>) dst(%arg12 : memref<128x16xf32, #tpu.memory_space<vmem>>)
      %get3A = arith.constant 0 : index
      %get3A_62 = tpu.vector_load %arg13[%get3A] {strides = array<i32>} : memref<16xf32, #tpu.memory_space<vmem>>, vector<16xf32>,
      %get3A_63 = vector.shape_cast %get3A_62 : vector<16xf32> to vector<16xf32>
      %scan3A = arith.constant 0 : i32
      %scan3A_64 = arith.constant 0 : i32
      %scan3A_65 = arith.constant 128 : i32
      %scan3A_66 = arith.addi %scan3A_64, %scan3A_65 : i32
      %scan3A_67 = arith.constant 2 : i32
      %scan3A_68 = scf.for %scan3A_71 = %scan3A_64 to %scan3A_66 step %scan3A_67 iter_args(%scan3A_72 = %scan3A) -> (i32)  : i32 {
        %get3A_73 = arith.index_cast %scan3A_71 : i32 to index
        %get3A_74 = arith.constant 128 : index
        %get3A_75 = tpu.vector_load %arg11[%get3A_73, %get3A_74] {strides = array<i32>} : memref<128x144xf32, #tpu.memory_space<vmem>>, vector<1x16xf32>,
        %get3A_76 = vector.shape_cast %get3A_75 : vector<1x16xf32> to vector<16xf32>
        %get3A_77 = arith.index_cast %scan3A_71 : i32 to index
        %get3A_78 = arith.constant 0 : index
        %get3A_79 = tpu.vector_load %arg12[%get3A_77, %get3A_78] {strides = array<i32>} : memref<128x16xf32, #tpu.memory_space<vmem>>, vector<1x16xf32>,
        %get3A_80 = vector.shape_cast %get3A_79 : vector<1x16xf32> to vector<16xf32>
        %add3A_81 = arith.addf %get3A_76, %get3A_80 : vector<16xf32>
        %mul3A_82 = arith.constant 2.000000e-01 : f32
        %mul3A_83 = vector.broadcast %mul3A_82 : f32 to vector<16xf32>
        %mul3A_84 = arith.mulf %mul3A_83, %add3A_81 : vector<16xf32>
        %max3A = arith.maximumf %add3A_81, %mul3A_84 : vector<16xf32>
        %sub3A_85 = arith.subf %max3A, %get3A_63 : vector<16xf32>
        %exp3A = math.exp %sub3A_85 : vector<16xf32>
        %swap3A = arith.index_cast %scan3A_71 : i32 to index
        %swap3A_86 = arith.constant 128 : index
        %swap3A_87 = tpu.vector_load %arg11[%swap3A, %swap3A_86] {strides = array<i32>} : memref<128x144xf32, #tpu.memory_space<vmem>>, vector<1x16xf32>,
        %swap3A_88 = vector.shape_cast %swap3A_87 : vector<1x16xf32> to vector<16xf32>
        %swap3A_89 = vector.shape_cast %exp3A : vector<16xf32> to vector<1x16xf32>
        tpu.vector_store %arg11[%swap3A, %swap3A_86], %swap3A_89 {strides = array<i32>} : memref<128x144xf32, #tpu.memory_space<vmem>>, vector<1x16xf32>,
        %get3A_90 = arith.index_cast %scan3A_71 : i32 to index
        %get3A_91 = arith.constant 0 : index
        %get3A_92 = tpu.vector_load %arg11[%get3A_90, %get3A_91] {strides = array<i32>} : memref<128x144xf32, #tpu.memory_space<vmem>>, vector<1x16xf32>,
        %get3A_93 = vector.shape_cast %get3A_92 : vector<1x16xf32> to vector<16xf32>
        %mul3A_94 = arith.mulf %get3A_93, %exp3A : vector<16xf32>
        %swap3A_95 = arith.index_cast %scan3A_71 : i32 to index
        %swap3A_96 = arith.constant 0 : index
        %swap3A_97 = tpu.vector_load %arg11[%swap3A_95, %swap3A_96] {strides = array<i32>} : memref<128x144xf32, #tpu.memory_space<vmem>>, vector<1x16xf32>,
        %swap3A_98 = vector.shape_cast %swap3A_97 : vector<1x16xf32> to vector<16xf32>
        %swap3A_99 = vector.shape_cast %mul3A_94 : vector<16xf32> to vector<1x16xf32>
        tpu.vector_store %arg11[%swap3A_95, %swap3A_96], %swap3A_99 {strides = array<i32>} : memref<128x144xf32, #tpu.memory_space<vmem>>, vector<1x16xf32>,
        %get3A_100 = arith.index_cast %scan3A_71 : i32 to index
        %get3A_101 = arith.constant 16 : index
        %get3A_102 = tpu.vector_load %arg11[%get3A_100, %get3A_101] {strides = array<i32>} : memref<128x144xf32, #tpu.memory_space<vmem>>, vector<1x16xf32>,
        %get3A_103 = vector.shape_cast %get3A_102 : vector<1x16xf32> to vector<16xf32>
        %mul3A_104 = arith.mulf %get3A_103, %exp3A : vector<16xf32>
        %swap3A_105 = arith.index_cast %scan3A_71 : i32 to index
        %swap3A_106 = arith.constant 16 : index
        %swap3A_107 = tpu.vector_load %arg11[%swap3A_105, %swap3A_106] {strides = array<i32>} : memref<128x144xf32, #tpu.memory_space<vmem>>, vector<1x16xf32>,
        %swap3A_108 = vector.shape_cast %swap3A_107 : vector<1x16xf32> to vector<16xf32>
        %swap3A_109 = vector.shape_cast %mul3A_104 : vector<16xf32> to vector<1x16xf32>
        tpu.vector_store %arg11[%swap3A_105, %swap3A_106], %swap3A_109 {strides = array<i32>} : memref<128x144xf32, #tpu.memory_space<vmem>>, vector<1x16xf32>,
        %get3A_110 = arith.index_cast %scan3A_71 : i32 to index
        %get3A_111 = arith.constant 32 : index
        %get3A_112 = tpu.vector_load %arg11[%get3A_110, %get3A_111] {strides = array<i32>} : memref<128x144xf32, #tpu.memory_space<vmem>>, vector<1x16xf32>,
        %get3A_113 = vector.shape_cast %get3A_112 : vector<1x16xf32> to vector<16xf32>
        %mul3A_114 = arith.mulf %get3A_113, %exp3A : vector<16xf32>
        %swap3A_115 = arith.index_cast %scan3A_71 : i32 to index
        %swap3A_116 = arith.constant 32 : index
        %swap3A_117 = tpu.vector_load %arg11[%swap3A_115, %swap3A_116] {strides = array<i32>} : memref<128x144xf32, #tpu.memory_space<vmem>>, vector<1x16xf32>,
        %swap3A_118 = vector.shape_cast %swap3A_117 : vector<1x16xf32> to vector<16xf32>
        %swap3A_119 = vector.shape_cast %mul3A_114 : vector<16xf32> to vector<1x16xf32>
        tpu.vector_store %arg11[%swap3A_115, %swap3A_116], %swap3A_119 {strides = array<i32>} : memref<128x144xf32, #tpu.memory_space<vmem>>, vector<1x16xf32>,
        %get3A_120 = arith.index_cast %scan3A_71 : i32 to index
        %get3A_121 = arith.constant 48 : index
        %get3A_122 = tpu.vector_load %arg11[%get3A_120, %get3A_121] {strides = array<i32>} : memref<128x144xf32, #tpu.memory_space<vmem>>, vector<1x16xf32>,
        %get3A_123 = vector.shape_cast %get3A_122 : vector<1x16xf32> to vector<16xf32>
        %mul3A_124 = arith.mulf %get3A_123, %exp3A : vector<16xf32>
        %swap3A_125 = arith.index_cast %scan3A_71 : i32 to index
        %swap3A_126 = arith.constant 48 : index
        %swap3A_127 = tpu.vector_load %arg11[%swap3A_125, %swap3A_126] {strides = array<i32>} : memref<128x144xf32, #tpu.memory_space<vmem>>, vector<1x16xf32>,
        %swap3A_128 = vector.shape_cast %swap3A_127 : vector<1x16xf32> to vector<16xf32>
        %swap3A_129 = vector.shape_cast %mul3A_124 : vector<16xf32> to vector<1x16xf32>
        tpu.vector_store %arg11[%swap3A_125, %swap3A_126], %swap3A_129 {strides = array<i32>} : memref<128x144xf32, #tpu.memory_space<vmem>>, vector<1x16xf32>,
        %get3A_130 = arith.index_cast %scan3A_71 : i32 to index
        %get3A_131 = arith.constant 64 : index
        %get3A_132 = tpu.vector_load %arg11[%get3A_130, %get3A_131] {strides = array<i32>} : memref<128x144xf32, #tpu.memory_space<vmem>>, vector<1x16xf32>,
        %get3A_133 = vector.shape_cast %get3A_132 : vector<1x16xf32> to vector<16xf32>
        %mul3A_134 = arith.mulf %get3A_133, %exp3A : vector<16xf32>
        %swap3A_135 = arith.index_cast %scan3A_71 : i32 to index
        %swap3A_136 = arith.constant 64 : index
        %swap3A_137 = tpu.vector_load %arg11[%swap3A_135, %swap3A_136] {strides = array<i32>} : memref<128x144xf32, #tpu.memory_space<vmem>>, vector<1x16xf32>,
        %swap3A_138 = vector.shape_cast %swap3A_137 : vector<1x16xf32> to vector<16xf32>
        %swap3A_139 = vector.shape_cast %mul3A_134 : vector<16xf32> to vector<1x16xf32>
        tpu.vector_store %arg11[%swap3A_135, %swap3A_136], %swap3A_139 {strides = array<i32>} : memref<128x144xf32, #tpu.memory_space<vmem>>, vector<1x16xf32>,
        %get3A_140 = arith.index_cast %scan3A_71 : i32 to index
        %get3A_141 = arith.constant 80 : index
        %get3A_142 = tpu.vector_load %arg11[%get3A_140, %get3A_141] {strides = array<i32>} : memref<128x144xf32, #tpu.memory_space<vmem>>, vector<1x16xf32>,
        %get3A_143 = vector.shape_cast %get3A_142 : vector<1x16xf32> to vector<16xf32>
        %mul3A_144 = arith.mulf %get3A_143, %exp3A : vector<16xf32>
        %swap3A_145 = arith.index_cast %scan3A_71 : i32 to index
        %swap3A_146 = arith.constant 80 : index
        %swap3A_147 = tpu.vector_load %arg11[%swap3A_145, %swap3A_146] {strides = array<i32>} : memref<128x144xf32, #tpu.memory_space<vmem>>, vector<1x16xf32>,
        %swap3A_148 = vector.shape_cast %swap3A_147 : vector<1x16xf32> to vector<16xf32>
        %swap3A_149 = vector.shape_cast %mul3A_144 : vector<16xf32> to vector<1x16xf32>
        tpu.vector_store %arg11[%swap3A_145, %swap3A_146], %swap3A_149 {strides = array<i32>} : memref<128x144xf32, #tpu.memory_space<vmem>>, vector<1x16xf32>,
        %get3A_150 = arith.index_cast %scan3A_71 : i32 to index
        %get3A_151 = arith.constant 96 : index
        %get3A_152 = tpu.vector_load %arg11[%get3A_150, %get3A_151] {strides = array<i32>} : memref<128x144xf32, #tpu.memory_space<vmem>>, vector<1x16xf32>,
        %get3A_153 = vector.shape_cast %get3A_152 : vector<1x16xf32> to vector<16xf32>
        %mul3A_154 = arith.mulf %get3A_153, %exp3A : vector<16xf32>
        %swap3A_155 = arith.index_cast %scan3A_71 : i32 to index
        %swap3A_156 = arith.constant 96 : index
        %swap3A_157 = tpu.vector_load %arg11[%swap3A_155, %swap3A_156] {strides = array<i32>} : memref<128x144xf32, #tpu.memory_space<vmem>>, vector<1x16xf32>,
        %swap3A_158 = vector.shape_cast %swap3A_157 : vector<1x16xf32> to vector<16xf32>
        %swap3A_159 = vector.shape_cast %mul3A_154 : vector<16xf32> to vector<1x16xf32>
        tpu.vector_store %arg11[%swap3A_155, %swap3A_156], %swap3A_159 {strides = array<i32>} : memref<128x144xf32, #tpu.memory_space<vmem>>, vector<1x16xf32>,
        %get3A_160 = arith.index_cast %scan3A_71 : i32 to index
        %get3A_161 = arith.constant 112 : index
        %get3A_162 = tpu.vector_load %arg11[%get3A_160, %get3A_161] {strides = array<i32>} : memref<128x144xf32, #tpu.memory_space<vmem>>, vector<1x16xf32>,
        %get3A_163 = vector.shape_cast %get3A_162 : vector<1x16xf32> to vector<16xf32>
        %mul3A_164 = arith.mulf %get3A_163, %exp3A : vector<16xf32>
        %swap3A_165 = arith.index_cast %scan3A_71 : i32 to index
        %swap3A_166 = arith.constant 112 : index
        %swap3A_167 = tpu.vector_load %arg11[%swap3A_165, %swap3A_166] {strides = array<i32>} : memref<128x144xf32, #tpu.memory_space<vmem>>, vector<1x16xf32>,
        %swap3A_168 = vector.shape_cast %swap3A_167 : vector<1x16xf32> to vector<16xf32>
        %swap3A_169 = vector.shape_cast %mul3A_164 : vector<16xf32> to vector<1x16xf32>
        tpu.vector_store %arg11[%swap3A_165, %swap3A_166], %swap3A_169 {strides = array<i32>} : memref<128x144xf32, #tpu.memory_space<vmem>>, vector<1x16xf32>,
        %scan3A_170 = arith.constant 0 : i32
        %scan3A_171 = arith.constant 1 : i32
        %scan3A_172 = arith.addi %scan3A_71, %scan3A_171 : i32
        %get3A_173 = arith.index_cast %scan3A_172 : i32 to index
        %get3A_174 = arith.constant 128 : index
        %get3A_175 = tpu.vector_load %arg11[%get3A_173, %get3A_174] {strides = array<i32>} : memref<128x144xf32, #tpu.memory_space<vmem>>, vector<1x16xf32>,
        %get3A_176 = vector.shape_cast %get3A_175 : vector<1x16xf32> to vector<16xf32>
        %get3A_177 = arith.index_cast %scan3A_172 : i32 to index
        %get3A_178 = arith.constant 0 : index
        %get3A_179 = tpu.vector_load %arg12[%get3A_177, %get3A_178] {strides = array<i32>} : memref<128x16xf32, #tpu.memory_space<vmem>>, vector<1x16xf32>,
        %get3A_180 = vector.shape_cast %get3A_179 : vector<1x16xf32> to vector<16xf32>
        %add3A_181 = arith.addf %get3A_176, %get3A_180 : vector<16xf32>
        %mul3A_182 = arith.constant 2.000000e-01 : f32
        %mul3A_183 = vector.broadcast %mul3A_182 : f32 to vector<16xf32>
        %mul3A_184 = arith.mulf %mul3A_183, %add3A_181 : vector<16xf32>
        %max3A_185 = arith.maximumf %add3A_181, %mul3A_184 : vector<16xf32>
        %sub3A_186 = arith.subf %max3A_185, %get3A_63 : vector<16xf32>
        %exp3A_187 = math.exp %sub3A_186 : vector<16xf32>
        %swap3A_188 = arith.index_cast %scan3A_172 : i32 to index
        %swap3A_189 = arith.constant 128 : index
        %swap3A_190 = tpu.vector_load %arg11[%swap3A_188, %swap3A_189] {strides = array<i32>} : memref<128x144xf32, #tpu.memory_space<vmem>>, vector<1x16xf32>,
        %swap3A_191 = vector.shape_cast %swap3A_190 : vector<1x16xf32> to vector<16xf32>
        %swap3A_192 = vector.shape_cast %exp3A_187 : vector<16xf32> to vector<1x16xf32>
        tpu.vector_store %arg11[%swap3A_188, %swap3A_189], %swap3A_192 {strides = array<i32>} : memref<128x144xf32, #tpu.memory_space<vmem>>, vector<1x16xf32>,
        %get3A_193 = arith.index_cast %scan3A_172 : i32 to index
        %get3A_194 = arith.constant 0 : index
        %get3A_195 = tpu.vector_load %arg11[%get3A_193, %get3A_194] {strides = array<i32>} : memref<128x144xf32, #tpu.memory_space<vmem>>, vector<1x16xf32>,
        %get3A_196 = vector.shape_cast %get3A_195 : vector<1x16xf32> to vector<16xf32>
        %mul3A_197 = arith.mulf %get3A_196, %exp3A_187 : vector<16xf32>
        %swap3A_198 = arith.index_cast %scan3A_172 : i32 to index
        %swap3A_199 = arith.constant 0 : index
        %swap3A_200 = tpu.vector_load %arg11[%swap3A_198, %swap3A_199] {strides = array<i32>} : memref<128x144xf32, #tpu.memory_space<vmem>>, vector<1x16xf32>,
        %swap3A_201 = vector.shape_cast %swap3A_200 : vector<1x16xf32> to vector<16xf32>
        %swap3A_202 = vector.shape_cast %mul3A_197 : vector<16xf32> to vector<1x16xf32>
        tpu.vector_store %arg11[%swap3A_198, %swap3A_199], %swap3A_202 {strides = array<i32>} : memref<128x144xf32, #tpu.memory_space<vmem>>, vector<1x16xf32>,
        %get3A_203 = arith.index_cast %scan3A_172 : i32 to index
        %get3A_204 = arith.constant 16 : index
        %get3A_205 = tpu.vector_load %arg11[%get3A_203, %get3A_204] {strides = array<i32>} : memref<128x144xf32, #tpu.memory_space<vmem>>, vector<1x16xf32>,
        %get3A_206 = vector.shape_cast %get3A_205 : vector<1x16xf32> to vector<16xf32>
        %mul3A_207 = arith.mulf %get3A_206, %exp3A_187 : vector<16xf32>
        %swap3A_208 = arith.index_cast %scan3A_172 : i32 to index
        %swap3A_209 = arith.constant 16 : index
        %swap3A_210 = tpu.vector_load %arg11[%swap3A_208, %swap3A_209] {strides = array<i32>} : memref<128x144xf32, #tpu.memory_space<vmem>>, vector<1x16xf32>,
        %swap3A_211 = vector.shape_cast %swap3A_210 : vector<1x16xf32> to vector<16xf32>
        %swap3A_212 = vector.shape_cast %mul3A_207 : vector<16xf32> to vector<1x16xf32>
        tpu.vector_store %arg11[%swap3A_208, %swap3A_209], %swap3A_212 {strides = array<i32>} : memref<128x144xf32, #tpu.memory_space<vmem>>, vector<1x16xf32>,
        %get3A_213 = arith.index_cast %scan3A_172 : i32 to index
        %get3A_214 = arith.constant 32 : index
        %get3A_215 = tpu.vector_load %arg11[%get3A_213, %get3A_214] {strides = array<i32>} : memref<128x144xf32, #tpu.memory_space<vmem>>, vector<1x16xf32>,
        %get3A_216 = vector.shape_cast %get3A_215 : vector<1x16xf32> to vector<16xf32>
        %mul3A_217 = arith.mulf %get3A_216, %exp3A_187 : vector<16xf32>
        %swap3A_218 = arith.index_cast %scan3A_172 : i32 to index
        %swap3A_219 = arith.constant 32 : index
        %swap3A_220 = tpu.vector_load %arg11[%swap3A_218, %swap3A_219] {strides = array<i32>} : memref<128x144xf32, #tpu.memory_space<vmem>>, vector<1x16xf32>,
        %swap3A_221 = vector.shape_cast %swap3A_220 : vector<1x16xf32> to vector<16xf32>
        %swap3A_222 = vector.shape_cast %mul3A_217 : vector<16xf32> to vector<1x16xf32>
        tpu.vector_store %arg11[%swap3A_218, %swap3A_219], %swap3A_222 {strides = array<i32>} : memref<128x144xf32, #tpu.memory_space<vmem>>, vector<1x16xf32>,
        %get3A_223 = arith.index_cast %scan3A_172 : i32 to index
        %get3A_224 = arith.constant 48 : index
        %get3A_225 = tpu.vector_load %arg11[%get3A_223, %get3A_224] {strides = array<i32>} : memref<128x144xf32, #tpu.memory_space<vmem>>, vector<1x16xf32>,
        %get3A_226 = vector.shape_cast %get3A_225 : vector<1x16xf32> to vector<16xf32>
        %mul3A_227 = arith.mulf %get3A_226, %exp3A_187 : vector<16xf32>
        %swap3A_228 = arith.index_cast %scan3A_172 : i32 to index
        %swap3A_229 = arith.constant 48 : index
        %swap3A_230 = tpu.vector_load %arg11[%swap3A_228, %swap3A_229] {strides = array<i32>} : memref<128x144xf32, #tpu.memory_space<vmem>>, vector<1x16xf32>,
        %swap3A_231 = vector.shape_cast %swap3A_230 : vector<1x16xf32> to vector<16xf32>
        %swap3A_232 = vector.shape_cast %mul3A_227 : vector<16xf32> to vector<1x16xf32>
        tpu.vector_store %arg11[%swap3A_228, %swap3A_229], %swap3A_232 {strides = array<i32>} : memref<128x144xf32, #tpu.memory_space<vmem>>, vector<1x16xf32>,
        %get3A_233 = arith.index_cast %scan3A_172 : i32 to index
        %get3A_234 = arith.constant 64 : index
        %get3A_235 = tpu.vector_load %arg11[%get3A_233, %get3A_234] {strides = array<i32>} : memref<128x144xf32, #tpu.memory_space<vmem>>, vector<1x16xf32>,
        %get3A_236 = vector.shape_cast %get3A_235 : vector<1x16xf32> to vector<16xf32>
        %mul3A_237 = arith.mulf %get3A_236, %exp3A_187 : vector<16xf32>
        %swap3A_238 = arith.index_cast %scan3A_172 : i32 to index
        %swap3A_239 = arith.constant 64 : index
        %swap3A_240 = tpu.vector_load %arg11[%swap3A_238, %swap3A_239] {strides = array<i32>} : memref<128x144xf32, #tpu.memory_space<vmem>>, vector<1x16xf32>,
        %swap3A_241 = vector.shape_cast %swap3A_240 : vector<1x16xf32> to vector<16xf32>
        %swap3A_242 = vector.shape_cast %mul3A_237 : vector<16xf32> to vector<1x16xf32>
        tpu.vector_store %arg11[%swap3A_238, %swap3A_239], %swap3A_242 {strides = array<i32>} : memref<128x144xf32, #tpu.memory_space<vmem>>, vector<1x16xf32>,
        %get3A_243 = arith.index_cast %scan3A_172 : i32 to index
        %get3A_244 = arith.constant 80 : index
        %get3A_245 = tpu.vector_load %arg11[%get3A_243, %get3A_244] {strides = array<i32>} : memref<128x144xf32, #tpu.memory_space<vmem>>, vector<1x16xf32>,
        %get3A_246 = vector.shape_cast %get3A_245 : vector<1x16xf32> to vector<16xf32>
        %mul3A_247 = arith.mulf %get3A_246, %exp3A_187 : vector<16xf32>
        %swap3A_248 = arith.index_cast %scan3A_172 : i32 to index
        %swap3A_249 = arith.constant 80 : index
        %swap3A_250 = tpu.vector_load %arg11[%swap3A_248, %swap3A_249] {strides = array<i32>} : memref<128x144xf32, #tpu.memory_space<vmem>>, vector<1x16xf32>,
        %swap3A_251 = vector.shape_cast %swap3A_250 : vector<1x16xf32> to vector<16xf32>
        %swap3A_252 = vector.shape_cast %mul3A_247 : vector<16xf32> to vector<1x16xf32>
        tpu.vector_store %arg11[%swap3A_248, %swap3A_249], %swap3A_252 {strides = array<i32>} : memref<128x144xf32, #tpu.memory_space<vmem>>, vector<1x16xf32>,
        %get3A_253 = arith.index_cast %scan3A_172 : i32 to index
        %get3A_254 = arith.constant 96 : index
        %get3A_255 = tpu.vector_load %arg11[%get3A_253, %get3A_254] {strides = array<i32>} : memref<128x144xf32, #tpu.memory_space<vmem>>, vector<1x16xf32>,
        %get3A_256 = vector.shape_cast %get3A_255 : vector<1x16xf32> to vector<16xf32>
        %mul3A_257 = arith.mulf %get3A_256, %exp3A_187 : vector<16xf32>
        %swap3A_258 = arith.index_cast %scan3A_172 : i32 to index
        %swap3A_259 = arith.constant 96 : index
        %swap3A_260 = tpu.vector_load %arg11[%swap3A_258, %swap3A_259] {strides = array<i32>} : memref<128x144xf32, #tpu.memory_space<vmem>>, vector<1x16xf32>,
        %swap3A_261 = vector.shape_cast %swap3A_260 : vector<1x16xf32> to vector<16xf32>
        %swap3A_262 = vector.shape_cast %mul3A_257 : vector<16xf32> to vector<1x16xf32>
        tpu.vector_store %arg11[%swap3A_258, %swap3A_259], %swap3A_262 {strides = array<i32>} : memref<128x144xf32, #tpu.memory_space<vmem>>, vector<1x16xf32>,
        %get3A_263 = arith.index_cast %scan3A_172 : i32 to index
        %get3A_264 = arith.constant 112 : index
        %get3A_265 = tpu.vector_load %arg11[%get3A_263, %get3A_264] {strides = array<i32>} : memref<128x144xf32, #tpu.memory_space<vmem>>, vector<1x16xf32>,
        %get3A_266 = vector.shape_cast %get3A_265 : vector<1x16xf32> to vector<16xf32>
        %mul3A_267 = arith.mulf %get3A_266, %exp3A_187 : vector<16xf32>
        %swap3A_268 = arith.index_cast %scan3A_172 : i32 to index
        %swap3A_269 = arith.constant 112 : index
        %swap3A_270 = tpu.vector_load %arg11[%swap3A_268, %swap3A_269] {strides = array<i32>} : memref<128x144xf32, #tpu.memory_space<vmem>>, vector<1x16xf32>,
        %swap3A_271 = vector.shape_cast %swap3A_270 : vector<1x16xf32> to vector<16xf32>
        %swap3A_272 = vector.shape_cast %mul3A_267 : vector<16xf32> to vector<1x16xf32>
        tpu.vector_store %arg11[%swap3A_268, %swap3A_269], %swap3A_272 {strides = array<i32>} : memref<128x144xf32, #tpu.memory_space<vmem>>, vector<1x16xf32>,
        %scan3A_273 = arith.constant 0 : i32
        scf.yield %scan3A_273 : i32
      }
      %scan3A_69 = arith.constant 128 : i32
      "tpu.region"() ({
        %run_scoped3A = tpu.sem_alloc : memref<!tpu.dma_semaphore, #tpu.memory_space<semaphore_mem>>
        %dma_start3A_71 = arith.constant 0 : i32
        %dma_start3A_72 = arith.constant 0 : i32
        %dma_start3A_73 = tpu.memref_slice %arg14[%dma_start3A_71, %dma_start3A_72] : memref<10240x144xf32, #tpu.memory_space<vmem_shared>> -> memref<10240x144xf32, #tpu.memory_space<vmem_shared>>
        tpu.enqueue_indirect_dma source(%arg11 : memref<128x144xf32, #tpu.memory_space<vmem>>) target(%dma_start3A_73 : memref<10240x144xf32, #tpu.memory_space<vmem_shared>>) offsets(%arg10 : memref<128xi32, #tpu.memory_space<vmem>>) semaphore(%run_scoped3A : memref<!tpu.dma_semaphore, #tpu.memory_space<semaphore_mem>>) {add = true}
        %dma_wait3A_74 = arith.constant 0 : i32
        %dma_wait3A_75 = arith.constant 0 : i32
        %dma_wait3A_76 = tpu.memref_slice %arg14[%dma_wait3A_74, %dma_wait3A_75] : memref<10240x144xf32, #tpu.memory_space<vmem_shared>> -> memref<10240x144xf32, #tpu.memory_space<vmem_shared>>
        tpu.wait_indirect_dma semaphore(%run_scoped3A : memref<!tpu.dma_semaphore, #tpu.memory_space<semaphore_mem>>) src(%arg11 : memref<128x144xf32, #tpu.memory_space<vmem>>) dst(%dma_wait3A_76 : memref<10240x144xf32, #tpu.memory_space<vmem_shared>>)
        tpu.yield
      }) : () -> ()
      %while3A_70 = arith.constant 0 : i32
      scf.yield %while3A_70 : i32
    }
    %while3A_36 = arith.constant 1 : i32
    %while3A_37 = scf.for %while3A_43 = %while3A_33 to %while3A_29 step %while3A_36 iter_args(%while3A_44 = %while3A_35) -> (i32)  : i32 {
      %mul3A_45 = arith.constant 32 : i32
      %mul3A_46 = arith.muli %while3A_43, %mul3A_45 : i32
      %add3A_47 = arith.addi %add3A, %mul3A_46 : i32
      %mul3A_48 = arith.constant 128 : i32
      %mul3A_49 = arith.muli %add3A_47, %mul3A_48 : i32
      "tpu.region"() ({
        %run_scoped3A = tpu.sem_alloc : memref<!tpu.dma_semaphore, #tpu.memory_space<semaphore_mem>>
        %dma_start3A_71 = tpu.memref_slice %arg2[%mul3A_49] : memref<320000xi32, #tpu.memory_space<hbm>> -> memref<128xi32, #tpu.memory_space<hbm>>
        %dma_start3A_72 = tpu.memref_slice %arg2[%mul3A_49] : memref<320000xi32, #tpu.memory_space<hbm>> -> memref<128xi32, #tpu.memory_space<hbm>>
        tpu.enqueue_dma source(%dma_start3A_72 : memref<128xi32, #tpu.memory_space<hbm>>) target(%arg9 : memref<128xi32, #tpu.memory_space<vmem>>) target_semaphore(%run_scoped3A : memref<!tpu.dma_semaphore, #tpu.memory_space<semaphore_mem>>)
        %dma_wait3A_73 = tpu.memref_slice %arg2[%mul3A_49] : memref<320000xi32, #tpu.memory_space<hbm>> -> memref<128xi32, #tpu.memory_space<hbm>>
        %dma_wait3A_74 = tpu.memref_slice %arg2[%mul3A_49] : memref<320000xi32, #tpu.memory_space<hbm>> -> memref<128xi32, #tpu.memory_space<hbm>>
        tpu.wait_dma2 semaphore(%run_scoped3A : memref<!tpu.dma_semaphore, #tpu.memory_space<semaphore_mem>>) src(%dma_wait3A_74 : memref<128xi32, #tpu.memory_space<hbm>>) dst(%arg9 : memref<128xi32, #tpu.memory_space<vmem>>)
        tpu.yield
      }) : () -> ()
      %mul3A_50 = arith.constant 128 : i32
      %mul3A_51 = arith.muli %add3A_47, %mul3A_50 : i32
      "tpu.region"() ({
        %run_scoped3A = tpu.sem_alloc : memref<!tpu.dma_semaphore, #tpu.memory_space<semaphore_mem>>
        %dma_start3A_71 = tpu.memref_slice %arg3[%mul3A_51] : memref<320000xi32, #tpu.memory_space<hbm>> -> memref<128xi32, #tpu.memory_space<hbm>>
        %dma_start3A_72 = tpu.memref_slice %arg3[%mul3A_51] : memref<320000xi32, #tpu.memory_space<hbm>> -> memref<128xi32, #tpu.memory_space<hbm>>
        tpu.enqueue_dma source(%dma_start3A_72 : memref<128xi32, #tpu.memory_space<hbm>>) target(%arg10 : memref<128xi32, #tpu.memory_space<vmem>>) target_semaphore(%run_scoped3A : memref<!tpu.dma_semaphore, #tpu.memory_space<semaphore_mem>>)
        %dma_wait3A_73 = tpu.memref_slice %arg3[%mul3A_51] : memref<320000xi32, #tpu.memory_space<hbm>> -> memref<128xi32, #tpu.memory_space<hbm>>
        %dma_wait3A_74 = tpu.memref_slice %arg3[%mul3A_51] : memref<320000xi32, #tpu.memory_space<hbm>> -> memref<128xi32, #tpu.memory_space<hbm>>
        tpu.wait_dma2 semaphore(%run_scoped3A : memref<!tpu.dma_semaphore, #tpu.memory_space<semaphore_mem>>) src(%dma_wait3A_74 : memref<128xi32, #tpu.memory_space<hbm>>) dst(%arg10 : memref<128xi32, #tpu.memory_space<vmem>>)
        tpu.yield
      }) : () -> ()
      %dma_start3A = arith.constant 0 : i32
      %dma_start3A_52 = arith.constant 0 : i32
      %dma_start3A_53 = tpu.memref_slice %arg4[%dma_start3A, %dma_start3A_52] : memref<10000x144xf32, #tpu.memory_space<hbm>> -> memref<10000x144xf32, #tpu.memory_space<hbm>>
      tpu.enqueue_indirect_dma source(%dma_start3A_53 : memref<10000x144xf32, #tpu.memory_space<hbm>>) target(%arg11 : memref<128x144xf32, #tpu.memory_space<vmem>>) offsets(%arg9 : memref<128xi32, #tpu.memory_space<vmem>>) semaphore(%arg15 : memref<!tpu.dma_semaphore, #tpu.memory_space<semaphore_mem>>)
      %dma_start3A_54 = arith.constant 0 : i32
      %dma_start3A_55 = arith.constant 0 : i32
      %dma_start3A_56 = tpu.memref_slice %arg5[%dma_start3A_54, %dma_start3A_55] : memref<10000x16xf32, #tpu.memory_space<hbm>> -> memref<10000x16xf32, #tpu.memory_space<hbm>>
      tpu.enqueue_indirect_dma source(%dma_start3A_56 : memref<10000x16xf32, #tpu.memory_space<hbm>>) target(%arg12 : memref<128x16xf32, #tpu.memory_space<vmem>>) offsets(%arg10 : memref<128xi32, #tpu.memory_space<vmem>>) semaphore(%arg16 : memref<!tpu.dma_semaphore, #tpu.memory_space<semaphore_mem>>)
      %dma_wait3A = arith.constant 0 : i32
      %dma_wait3A_57 = arith.constant 0 : i32
      %dma_wait3A_58 = tpu.memref_slice %arg4[%dma_wait3A, %dma_wait3A_57] : memref<10000x144xf32, #tpu.memory_space<hbm>> -> memref<10000x144xf32, #tpu.memory_space<hbm>>
      tpu.wait_indirect_dma semaphore(%arg15 : memref<!tpu.dma_semaphore, #tpu.memory_space<semaphore_mem>>) src(%dma_wait3A_58 : memref<10000x144xf32, #tpu.memory_space<hbm>>) dst(%arg11 : memref<128x144xf32, #tpu.memory_space<vmem>>)
      %dma_wait3A_59 = arith.constant 0 : i32
      %dma_wait3A_60 = arith.constant 0 : i32
      %dma_wait3A_61 = tpu.memref_slice %arg5[%dma_wait3A_59, %dma_wait3A_60] : memref<10000x16xf32, #tpu.memory_space<hbm>> -> memref<10000x16xf32, #tpu.memory_space<hbm>>
      tpu.wait_indirect_dma semaphore(%arg16 : memref<!tpu.dma_semaphore, #tpu.memory_space<semaphore_mem>>) src(%dma_wait3A_61 : memref<10000x16xf32, #tpu.memory_space<hbm>>) dst(%arg12 : memref<128x16xf32, #tpu.memory_space<vmem>>)
      %get3A = arith.constant 0 : index
      %get3A_62 = tpu.vector_load %arg13[%get3A] {strides = array<i32>} : memref<16xf32, #tpu.memory_space<vmem>>, vector<16xf32>,
      %get3A_63 = vector.shape_cast %get3A_62 : vector<16xf32> to vector<16xf32>
      %scan3A = arith.constant 0 : i32
      %scan3A_64 = arith.constant 0 : i32
      %scan3A_65 = arith.constant 128 : i32
      %scan3A_66 = arith.addi %scan3A_64, %scan3A_65 : i32
      %scan3A_67 = arith.constant 2 : i32
      %scan3A_68 = scf.for %scan3A_71 = %scan3A_64 to %scan3A_66 step %scan3A_67 iter_args(%scan3A_72 = %scan3A) -> (i32)  : i32 {
        %get3A_73 = arith.index_cast %scan3A_71 : i32 to index
        %get3A_74 = arith.constant 128 : index
        %get3A_75 = tpu.vector_load %arg11[%get3A_73, %get3A_74] {strides = array<i32>} : memref<128x144xf32, #tpu.memory_space<vmem>>, vector<1x16xf32>,
        %get3A_76 = vector.shape_cast %get3A_75 : vector<1x16xf32> to vector<16xf32>
        %get3A_77 = arith.index_cast %scan3A_71 : i32 to index
        %get3A_78 = arith.constant 0 : index
        %get3A_79 = tpu.vector_load %arg12[%get3A_77, %get3A_78] {strides = array<i32>} : memref<128x16xf32, #tpu.memory_space<vmem>>, vector<1x16xf32>,
        %get3A_80 = vector.shape_cast %get3A_79 : vector<1x16xf32> to vector<16xf32>
        %add3A_81 = arith.addf %get3A_76, %get3A_80 : vector<16xf32>
        %mul3A_82 = arith.constant 2.000000e-01 : f32
        %mul3A_83 = vector.broadcast %mul3A_82 : f32 to vector<16xf32>
        %mul3A_84 = arith.mulf %mul3A_83, %add3A_81 : vector<16xf32>
        %max3A = arith.maximumf %add3A_81, %mul3A_84 : vector<16xf32>
        %sub3A_85 = arith.subf %max3A, %get3A_63 : vector<16xf32>
        %exp3A = math.exp %sub3A_85 : vector<16xf32>
        %swap3A = arith.index_cast %scan3A_71 : i32 to index
        %swap3A_86 = arith.constant 128 : index
        %swap3A_87 = tpu.vector_load %arg11[%swap3A, %swap3A_86] {strides = array<i32>} : memref<128x144xf32, #tpu.memory_space<vmem>>, vector<1x16xf32>,
        %swap3A_88 = vector.shape_cast %swap3A_87 : vector<1x16xf32> to vector<16xf32>
        %swap3A_89 = vector.shape_cast %exp3A : vector<16xf32> to vector<1x16xf32>
        tpu.vector_store %arg11[%swap3A, %swap3A_86], %swap3A_89 {strides = array<i32>} : memref<128x144xf32, #tpu.memory_space<vmem>>, vector<1x16xf32>,
        %get3A_90 = arith.index_cast %scan3A_71 : i32 to index
        %get3A_91 = arith.constant 0 : index
        %get3A_92 = tpu.vector_load %arg11[%get3A_90, %get3A_91] {strides = array<i32>} : memref<128x144xf32, #tpu.memory_space<vmem>>, vector<1x16xf32>,
        %get3A_93 = vector.shape_cast %get3A_92 : vector<1x16xf32> to vector<16xf32>
        %mul3A_94 = arith.mulf %get3A_93, %exp3A : vector<16xf32>
        %swap3A_95 = arith.index_cast %scan3A_71 : i32 to index
        %swap3A_96 = arith.constant 0 : index
        %swap3A_97 = tpu.vector_load %arg11[%swap3A_95, %swap3A_96] {strides = array<i32>} : memref<128x144xf32, #tpu.memory_space<vmem>>, vector<1x16xf32>,
        %swap3A_98 = vector.shape_cast %swap3A_97 : vector<1x16xf32> to vector<16xf32>
        %swap3A_99 = vector.shape_cast %mul3A_94 : vector<16xf32> to vector<1x16xf32>
        tpu.vector_store %arg11[%swap3A_95, %swap3A_96], %swap3A_99 {strides = array<i32>} : memref<128x144xf32, #tpu.memory_space<vmem>>, vector<1x16xf32>,
        %get3A_100 = arith.index_cast %scan3A_71 : i32 to index
        %get3A_101 = arith.constant 16 : index
        %get3A_102 = tpu.vector_load %arg11[%get3A_100, %get3A_101] {strides = array<i32>} : memref<128x144xf32, #tpu.memory_space<vmem>>, vector<1x16xf32>,
        %get3A_103 = vector.shape_cast %get3A_102 : vector<1x16xf32> to vector<16xf32>
        %mul3A_104 = arith.mulf %get3A_103, %exp3A : vector<16xf32>
        %swap3A_105 = arith.index_cast %scan3A_71 : i32 to index
        %swap3A_106 = arith.constant 16 : index
        %swap3A_107 = tpu.vector_load %arg11[%swap3A_105, %swap3A_106] {strides = array<i32>} : memref<128x144xf32, #tpu.memory_space<vmem>>, vector<1x16xf32>,
        %swap3A_108 = vector.shape_cast %swap3A_107 : vector<1x16xf32> to vector<16xf32>
        %swap3A_109 = vector.shape_cast %mul3A_104 : vector<16xf32> to vector<1x16xf32>
        tpu.vector_store %arg11[%swap3A_105, %swap3A_106], %swap3A_109 {strides = array<i32>} : memref<128x144xf32, #tpu.memory_space<vmem>>, vector<1x16xf32>,
        %get3A_110 = arith.index_cast %scan3A_71 : i32 to index
        %get3A_111 = arith.constant 32 : index
        %get3A_112 = tpu.vector_load %arg11[%get3A_110, %get3A_111] {strides = array<i32>} : memref<128x144xf32, #tpu.memory_space<vmem>>, vector<1x16xf32>,
        %get3A_113 = vector.shape_cast %get3A_112 : vector<1x16xf32> to vector<16xf32>
        %mul3A_114 = arith.mulf %get3A_113, %exp3A : vector<16xf32>
        %swap3A_115 = arith.index_cast %scan3A_71 : i32 to index
        %swap3A_116 = arith.constant 32 : index
        %swap3A_117 = tpu.vector_load %arg11[%swap3A_115, %swap3A_116] {strides = array<i32>} : memref<128x144xf32, #tpu.memory_space<vmem>>, vector<1x16xf32>,
        %swap3A_118 = vector.shape_cast %swap3A_117 : vector<1x16xf32> to vector<16xf32>
        %swap3A_119 = vector.shape_cast %mul3A_114 : vector<16xf32> to vector<1x16xf32>
        tpu.vector_store %arg11[%swap3A_115, %swap3A_116], %swap3A_119 {strides = array<i32>} : memref<128x144xf32, #tpu.memory_space<vmem>>, vector<1x16xf32>,
        %get3A_120 = arith.index_cast %scan3A_71 : i32 to index
        %get3A_121 = arith.constant 48 : index
        %get3A_122 = tpu.vector_load %arg11[%get3A_120, %get3A_121] {strides = array<i32>} : memref<128x144xf32, #tpu.memory_space<vmem>>, vector<1x16xf32>,
        %get3A_123 = vector.shape_cast %get3A_122 : vector<1x16xf32> to vector<16xf32>
        %mul3A_124 = arith.mulf %get3A_123, %exp3A : vector<16xf32>
        %swap3A_125 = arith.index_cast %scan3A_71 : i32 to index
        %swap3A_126 = arith.constant 48 : index
        %swap3A_127 = tpu.vector_load %arg11[%swap3A_125, %swap3A_126] {strides = array<i32>} : memref<128x144xf32, #tpu.memory_space<vmem>>, vector<1x16xf32>,
        %swap3A_128 = vector.shape_cast %swap3A_127 : vector<1x16xf32> to vector<16xf32>
        %swap3A_129 = vector.shape_cast %mul3A_124 : vector<16xf32> to vector<1x16xf32>
        tpu.vector_store %arg11[%swap3A_125, %swap3A_126], %swap3A_129 {strides = array<i32>} : memref<128x144xf32, #tpu.memory_space<vmem>>, vector<1x16xf32>,
        %get3A_130 = arith.index_cast %scan3A_71 : i32 to index
        %get3A_131 = arith.constant 64 : index
        %get3A_132 = tpu.vector_load %arg11[%get3A_130, %get3A_131] {strides = array<i32>} : memref<128x144xf32, #tpu.memory_space<vmem>>, vector<1x16xf32>,
        %get3A_133 = vector.shape_cast %get3A_132 : vector<1x16xf32> to vector<16xf32>
        %mul3A_134 = arith.mulf %get3A_133, %exp3A : vector<16xf32>
        %swap3A_135 = arith.index_cast %scan3A_71 : i32 to index
        %swap3A_136 = arith.constant 64 : index
        %swap3A_137 = tpu.vector_load %arg11[%swap3A_135, %swap3A_136] {strides = array<i32>} : memref<128x144xf32, #tpu.memory_space<vmem>>, vector<1x16xf32>,
        %swap3A_138 = vector.shape_cast %swap3A_137 : vector<1x16xf32> to vector<16xf32>
        %swap3A_139 = vector.shape_cast %mul3A_134 : vector<16xf32> to vector<1x16xf32>
        tpu.vector_store %arg11[%swap3A_135, %swap3A_136], %swap3A_139 {strides = array<i32>} : memref<128x144xf32, #tpu.memory_space<vmem>>, vector<1x16xf32>,
        %get3A_140 = arith.index_cast %scan3A_71 : i32 to index
        %get3A_141 = arith.constant 80 : index
        %get3A_142 = tpu.vector_load %arg11[%get3A_140, %get3A_141] {strides = array<i32>} : memref<128x144xf32, #tpu.memory_space<vmem>>, vector<1x16xf32>,
        %get3A_143 = vector.shape_cast %get3A_142 : vector<1x16xf32> to vector<16xf32>
        %mul3A_144 = arith.mulf %get3A_143, %exp3A : vector<16xf32>
        %swap3A_145 = arith.index_cast %scan3A_71 : i32 to index
        %swap3A_146 = arith.constant 80 : index
        %swap3A_147 = tpu.vector_load %arg11[%swap3A_145, %swap3A_146] {strides = array<i32>} : memref<128x144xf32, #tpu.memory_space<vmem>>, vector<1x16xf32>,
        %swap3A_148 = vector.shape_cast %swap3A_147 : vector<1x16xf32> to vector<16xf32>
        %swap3A_149 = vector.shape_cast %mul3A_144 : vector<16xf32> to vector<1x16xf32>
        tpu.vector_store %arg11[%swap3A_145, %swap3A_146], %swap3A_149 {strides = array<i32>} : memref<128x144xf32, #tpu.memory_space<vmem>>, vector<1x16xf32>,
        %get3A_150 = arith.index_cast %scan3A_71 : i32 to index
        %get3A_151 = arith.constant 96 : index
        %get3A_152 = tpu.vector_load %arg11[%get3A_150, %get3A_151] {strides = array<i32>} : memref<128x144xf32, #tpu.memory_space<vmem>>, vector<1x16xf32>,
        %get3A_153 = vector.shape_cast %get3A_152 : vector<1x16xf32> to vector<16xf32>
        %mul3A_154 = arith.mulf %get3A_153, %exp3A : vector<16xf32>
        %swap3A_155 = arith.index_cast %scan3A_71 : i32 to index
        %swap3A_156 = arith.constant 96 : index
        %swap3A_157 = tpu.vector_load %arg11[%swap3A_155, %swap3A_156] {strides = array<i32>} : memref<128x144xf32, #tpu.memory_space<vmem>>, vector<1x16xf32>,
        %swap3A_158 = vector.shape_cast %swap3A_157 : vector<1x16xf32> to vector<16xf32>
        %swap3A_159 = vector.shape_cast %mul3A_154 : vector<16xf32> to vector<1x16xf32>
        tpu.vector_store %arg11[%swap3A_155, %swap3A_156], %swap3A_159 {strides = array<i32>} : memref<128x144xf32, #tpu.memory_space<vmem>>, vector<1x16xf32>,
        %get3A_160 = arith.index_cast %scan3A_71 : i32 to index
        %get3A_161 = arith.constant 112 : index
        %get3A_162 = tpu.vector_load %arg11[%get3A_160, %get3A_161] {strides = array<i32>} : memref<128x144xf32, #tpu.memory_space<vmem>>, vector<1x16xf32>,
        %get3A_163 = vector.shape_cast %get3A_162 : vector<1x16xf32> to vector<16xf32>
        %mul3A_164 = arith.mulf %get3A_163, %exp3A : vector<16xf32>
        %swap3A_165 = arith.index_cast %scan3A_71 : i32 to index
        %swap3A_166 = arith.constant 112 : index
        %swap3A_167 = tpu.vector_load %arg11[%swap3A_165, %swap3A_166] {strides = array<i32>} : memref<128x144xf32, #tpu.memory_space<vmem>>, vector<1x16xf32>,
        %swap3A_168 = vector.shape_cast %swap3A_167 : vector<1x16xf32> to vector<16xf32>
        %swap3A_169 = vector.shape_cast %mul3A_164 : vector<16xf32> to vector<1x16xf32>
        tpu.vector_store %arg11[%swap3A_165, %swap3A_166], %swap3A_169 {strides = array<i32>} : memref<128x144xf32, #tpu.memory_space<vmem>>, vector<1x16xf32>,
        %scan3A_170 = arith.constant 0 : i32
        %scan3A_171 = arith.constant 1 : i32
        %scan3A_172 = arith.addi %scan3A_71, %scan3A_171 : i32
        %get3A_173 = arith.index_cast %scan3A_172 : i32 to index
        %get3A_174 = arith.constant 128 : index
        %get3A_175 = tpu.vector_load %arg11[%get3A_173, %get3A_174] {strides = array<i32>} : memref<128x144xf32, #tpu.memory_space<vmem>>, vector<1x16xf32>,
        %get3A_176 = vector.shape_cast %get3A_175 : vector<1x16xf32> to vector<16xf32>
        %get3A_177 = arith.index_cast %scan3A_172 : i32 to index
        %get3A_178 = arith.constant 0 : index
        %get3A_179 = tpu.vector_load %arg12[%get3A_177, %get3A_178] {strides = array<i32>} : memref<128x16xf32, #tpu.memory_space<vmem>>, vector<1x16xf32>,
        %get3A_180 = vector.shape_cast %get3A_179 : vector<1x16xf32> to vector<16xf32>
        %add3A_181 = arith.addf %get3A_176, %get3A_180 : vector<16xf32>
        %mul3A_182 = arith.constant 2.000000e-01 : f32
        %mul3A_183 = vector.broadcast %mul3A_182 : f32 to vector<16xf32>
        %mul3A_184 = arith.mulf %mul3A_183, %add3A_181 : vector<16xf32>
        %max3A_185 = arith.maximumf %add3A_181, %mul3A_184 : vector<16xf32>
        %sub3A_186 = arith.subf %max3A_185, %get3A_63 : vector<16xf32>
        %exp3A_187 = math.exp %sub3A_186 : vector<16xf32>
        %swap3A_188 = arith.index_cast %scan3A_172 : i32 to index
        %swap3A_189 = arith.constant 128 : index
        %swap3A_190 = tpu.vector_load %arg11[%swap3A_188, %swap3A_189] {strides = array<i32>} : memref<128x144xf32, #tpu.memory_space<vmem>>, vector<1x16xf32>,
        %swap3A_191 = vector.shape_cast %swap3A_190 : vector<1x16xf32> to vector<16xf32>
        %swap3A_192 = vector.shape_cast %exp3A_187 : vector<16xf32> to vector<1x16xf32>
        tpu.vector_store %arg11[%swap3A_188, %swap3A_189], %swap3A_192 {strides = array<i32>} : memref<128x144xf32, #tpu.memory_space<vmem>>, vector<1x16xf32>,
        %get3A_193 = arith.index_cast %scan3A_172 : i32 to index
        %get3A_194 = arith.constant 0 : index
        %get3A_195 = tpu.vector_load %arg11[%get3A_193, %get3A_194] {strides = array<i32>} : memref<128x144xf32, #tpu.memory_space<vmem>>, vector<1x16xf32>,
        %get3A_196 = vector.shape_cast %get3A_195 : vector<1x16xf32> to vector<16xf32>
        %mul3A_197 = arith.mulf %get3A_196, %exp3A_187 : vector<16xf32>
        %swap3A_198 = arith.index_cast %scan3A_172 : i32 to index
        %swap3A_199 = arith.constant 0 : index
        %swap3A_200 = tpu.vector_load %arg11[%swap3A_198, %swap3A_199] {strides = array<i32>} : memref<128x144xf32, #tpu.memory_space<vmem>>, vector<1x16xf32>,
        %swap3A_201 = vector.shape_cast %swap3A_200 : vector<1x16xf32> to vector<16xf32>
        %swap3A_202 = vector.shape_cast %mul3A_197 : vector<16xf32> to vector<1x16xf32>
        tpu.vector_store %arg11[%swap3A_198, %swap3A_199], %swap3A_202 {strides = array<i32>} : memref<128x144xf32, #tpu.memory_space<vmem>>, vector<1x16xf32>,
        %get3A_203 = arith.index_cast %scan3A_172 : i32 to index
        %get3A_204 = arith.constant 16 : index
        %get3A_205 = tpu.vector_load %arg11[%get3A_203, %get3A_204] {strides = array<i32>} : memref<128x144xf32, #tpu.memory_space<vmem>>, vector<1x16xf32>,
        %get3A_206 = vector.shape_cast %get3A_205 : vector<1x16xf32> to vector<16xf32>
        %mul3A_207 = arith.mulf %get3A_206, %exp3A_187 : vector<16xf32>
        %swap3A_208 = arith.index_cast %scan3A_172 : i32 to index
        %swap3A_209 = arith.constant 16 : index
        %swap3A_210 = tpu.vector_load %arg11[%swap3A_208, %swap3A_209] {strides = array<i32>} : memref<128x144xf32, #tpu.memory_space<vmem>>, vector<1x16xf32>,
        %swap3A_211 = vector.shape_cast %swap3A_210 : vector<1x16xf32> to vector<16xf32>
        %swap3A_212 = vector.shape_cast %mul3A_207 : vector<16xf32> to vector<1x16xf32>
        tpu.vector_store %arg11[%swap3A_208, %swap3A_209], %swap3A_212 {strides = array<i32>} : memref<128x144xf32, #tpu.memory_space<vmem>>, vector<1x16xf32>,
        %get3A_213 = arith.index_cast %scan3A_172 : i32 to index
        %get3A_214 = arith.constant 32 : index
        %get3A_215 = tpu.vector_load %arg11[%get3A_213, %get3A_214] {strides = array<i32>} : memref<128x144xf32, #tpu.memory_space<vmem>>, vector<1x16xf32>,
        %get3A_216 = vector.shape_cast %get3A_215 : vector<1x16xf32> to vector<16xf32>
        %mul3A_217 = arith.mulf %get3A_216, %exp3A_187 : vector<16xf32>
        %swap3A_218 = arith.index_cast %scan3A_172 : i32 to index
        %swap3A_219 = arith.constant 32 : index
        %swap3A_220 = tpu.vector_load %arg11[%swap3A_218, %swap3A_219] {strides = array<i32>} : memref<128x144xf32, #tpu.memory_space<vmem>>, vector<1x16xf32>,
        %swap3A_221 = vector.shape_cast %swap3A_220 : vector<1x16xf32> to vector<16xf32>
        %swap3A_222 = vector.shape_cast %mul3A_217 : vector<16xf32> to vector<1x16xf32>
        tpu.vector_store %arg11[%swap3A_218, %swap3A_219], %swap3A_222 {strides = array<i32>} : memref<128x144xf32, #tpu.memory_space<vmem>>, vector<1x16xf32>,
        %get3A_223 = arith.index_cast %scan3A_172 : i32 to index
        %get3A_224 = arith.constant 48 : index
        %get3A_225 = tpu.vector_load %arg11[%get3A_223, %get3A_224] {strides = array<i32>} : memref<128x144xf32, #tpu.memory_space<vmem>>, vector<1x16xf32>,
        %get3A_226 = vector.shape_cast %get3A_225 : vector<1x16xf32> to vector<16xf32>
        %mul3A_227 = arith.mulf %get3A_226, %exp3A_187 : vector<16xf32>
        %swap3A_228 = arith.index_cast %scan3A_172 : i32 to index
        %swap3A_229 = arith.constant 48 : index
        %swap3A_230 = tpu.vector_load %arg11[%swap3A_228, %swap3A_229] {strides = array<i32>} : memref<128x144xf32, #tpu.memory_space<vmem>>, vector<1x16xf32>,
        %swap3A_231 = vector.shape_cast %swap3A_230 : vector<1x16xf32> to vector<16xf32>
        %swap3A_232 = vector.shape_cast %mul3A_227 : vector<16xf32> to vector<1x16xf32>
        tpu.vector_store %arg11[%swap3A_228, %swap3A_229], %swap3A_232 {strides = array<i32>} : memref<128x144xf32, #tpu.memory_space<vmem>>, vector<1x16xf32>,
        %get3A_233 = arith.index_cast %scan3A_172 : i32 to index
        %get3A_234 = arith.constant 64 : index
        %get3A_235 = tpu.vector_load %arg11[%get3A_233, %get3A_234] {strides = array<i32>} : memref<128x144xf32, #tpu.memory_space<vmem>>, vector<1x16xf32>,
        %get3A_236 = vector.shape_cast %get3A_235 : vector<1x16xf32> to vector<16xf32>
        %mul3A_237 = arith.mulf %get3A_236, %exp3A_187 : vector<16xf32>
        %swap3A_238 = arith.index_cast %scan3A_172 : i32 to index
        %swap3A_239 = arith.constant 64 : index
        %swap3A_240 = tpu.vector_load %arg11[%swap3A_238, %swap3A_239] {strides = array<i32>} : memref<128x144xf32, #tpu.memory_space<vmem>>, vector<1x16xf32>,
        %swap3A_241 = vector.shape_cast %swap3A_240 : vector<1x16xf32> to vector<16xf32>
        %swap3A_242 = vector.shape_cast %mul3A_237 : vector<16xf32> to vector<1x16xf32>
        tpu.vector_store %arg11[%swap3A_238, %swap3A_239], %swap3A_242 {strides = array<i32>} : memref<128x144xf32, #tpu.memory_space<vmem>>, vector<1x16xf32>,
        %get3A_243 = arith.index_cast %scan3A_172 : i32 to index
        %get3A_244 = arith.constant 80 : index
        %get3A_245 = tpu.vector_load %arg11[%get3A_243, %get3A_244] {strides = array<i32>} : memref<128x144xf32, #tpu.memory_space<vmem>>, vector<1x16xf32>,
        %get3A_246 = vector.shape_cast %get3A_245 : vector<1x16xf32> to vector<16xf32>
        %mul3A_247 = arith.mulf %get3A_246, %exp3A_187 : vector<16xf32>
        %swap3A_248 = arith.index_cast %scan3A_172 : i32 to index
        %swap3A_249 = arith.constant 80 : index
        %swap3A_250 = tpu.vector_load %arg11[%swap3A_248, %swap3A_249] {strides = array<i32>} : memref<128x144xf32, #tpu.memory_space<vmem>>, vector<1x16xf32>,
        %swap3A_251 = vector.shape_cast %swap3A_250 : vector<1x16xf32> to vector<16xf32>
        %swap3A_252 = vector.shape_cast %mul3A_247 : vector<16xf32> to vector<1x16xf32>
        tpu.vector_store %arg11[%swap3A_248, %swap3A_249], %swap3A_252 {strides = array<i32>} : memref<128x144xf32, #tpu.memory_space<vmem>>, vector<1x16xf32>,
        %get3A_253 = arith.index_cast %scan3A_172 : i32 to index
        %get3A_254 = arith.constant 96 : index
        %get3A_255 = tpu.vector_load %arg11[%get3A_253, %get3A_254] {strides = array<i32>} : memref<128x144xf32, #tpu.memory_space<vmem>>, vector<1x16xf32>,
        %get3A_256 = vector.shape_cast %get3A_255 : vector<1x16xf32> to vector<16xf32>
        %mul3A_257 = arith.mulf %get3A_256, %exp3A_187 : vector<16xf32>
        %swap3A_258 = arith.index_cast %scan3A_172 : i32 to index
        %swap3A_259 = arith.constant 96 : index
        %swap3A_260 = tpu.vector_load %arg11[%swap3A_258, %swap3A_259] {strides = array<i32>} : memref<128x144xf32, #tpu.memory_space<vmem>>, vector<1x16xf32>,
        %swap3A_261 = vector.shape_cast %swap3A_260 : vector<1x16xf32> to vector<16xf32>
        %swap3A_262 = vector.shape_cast %mul3A_257 : vector<16xf32> to vector<1x16xf32>
        tpu.vector_store %arg11[%swap3A_258, %swap3A_259], %swap3A_262 {strides = array<i32>} : memref<128x144xf32, #tpu.memory_space<vmem>>, vector<1x16xf32>,
        %get3A_263 = arith.index_cast %scan3A_172 : i32 to index
        %get3A_264 = arith.constant 112 : index
        %get3A_265 = tpu.vector_load %arg11[%get3A_263, %get3A_264] {strides = array<i32>} : memref<128x144xf32, #tpu.memory_space<vmem>>, vector<1x16xf32>,
        %get3A_266 = vector.shape_cast %get3A_265 : vector<1x16xf32> to vector<16xf32>
        %mul3A_267 = arith.mulf %get3A_266, %exp3A_187 : vector<16xf32>
        %swap3A_268 = arith.index_cast %scan3A_172 : i32 to index
        %swap3A_269 = arith.constant 112 : index
        %swap3A_270 = tpu.vector_load %arg11[%swap3A_268, %swap3A_269] {strides = array<i32>} : memref<128x144xf32, #tpu.memory_space<vmem>>, vector<1x16xf32>,
        %swap3A_271 = vector.shape_cast %swap3A_270 : vector<1x16xf32> to vector<16xf32>
        %swap3A_272 = vector.shape_cast %mul3A_267 : vector<16xf32> to vector<1x16xf32>
        tpu.vector_store %arg11[%swap3A_268, %swap3A_269], %swap3A_272 {strides = array<i32>} : memref<128x144xf32, #tpu.memory_space<vmem>>, vector<1x16xf32>,
        %scan3A_273 = arith.constant 0 : i32
        scf.yield %scan3A_273 : i32
      }
      %scan3A_69 = arith.constant 128 : i32
      "tpu.region"() ({
        %run_scoped3A = tpu.sem_alloc : memref<!tpu.dma_semaphore, #tpu.memory_space<semaphore_mem>>
        %dma_start3A_71 = arith.constant 0 : i32
        %dma_start3A_72 = arith.constant 0 : i32
        %dma_start3A_73 = tpu.memref_slice %arg14[%dma_start3A_71, %dma_start3A_72] : memref<10240x144xf32, #tpu.memory_space<vmem_shared>> -> memref<10240x144xf32, #tpu.memory_space<vmem_shared>>
        tpu.enqueue_indirect_dma source(%arg11 : memref<128x144xf32, #tpu.memory_space<vmem>>) target(%dma_start3A_73 : memref<10240x144xf32, #tpu.memory_space<vmem_shared>>) offsets(%arg10 : memref<128xi32, #tpu.memory_space<vmem>>) semaphore(%run_scoped3A : memref<!tpu.dma_semaphore, #tpu.memory_space<semaphore_mem>>) {add = true}
        %dma_wait3A_74 = arith.constant 0 : i32
        %dma_wait3A_75 = arith.constant 0 : i32
        %dma_wait3A_76 = tpu.memref_slice %arg14[%dma_wait3A_74, %dma_wait3A_75] : memref<10240x144xf32, #tpu.memory_space<vmem_shared>> -> memref<10240x144xf32, #tpu.memory_space<vmem_shared>>
        tpu.wait_indirect_dma semaphore(%run_scoped3A : memref<!tpu.dma_semaphore, #tpu.memory_space<semaphore_mem>>) src(%arg11 : memref<128x144xf32, #tpu.memory_space<vmem>>) dst(%dma_wait3A_76 : memref<10240x144xf32, #tpu.memory_space<vmem_shared>>)
        tpu.yield
      }) : () -> ()
      %while3A_70 = arith.constant 0 : i32
      scf.yield %while3A_70 : i32
    }
    %barrier3A_38 = arith.constant 0 : index
    tpu.barrier barrier_id(%barrier3A_38)
    %mul3A_39 = arith.constant 640 : i32
    %mul3A_40 = arith.muli %arg1, %mul3A_39 : i32
    %mul3A_41 = arith.constant 640 : i32
    %mul3A_42 = arith.muli %arg1, %mul3A_41 : i32
    "tpu.region"() ({
      %run_scoped3A = tpu.sem_alloc : memref<!tpu.dma_semaphore, #tpu.memory_space<semaphore_mem>>
      %dma_start3A = arith.constant 0 : i32
      %dma_start3A_43 = tpu.memref_slice %arg8[%arg0, %mul3A_42, %dma_start3A] : memref<2x10240x144xf32, #tpu.memory_space<hbm>> -> memref<1x640x144xf32, #tpu.memory_space<hbm>>
      %dma_start3A_44 = tpu.memref_squeeze %dma_start3A_43 : memref<1x640x144xf32, #tpu.memory_space<hbm>> -> memref<640x144xf32, #tpu.memory_space<hbm>>
      %dma_start3A_45 = arith.constant 0 : i32
      %dma_start3A_46 = tpu.memref_slice %arg14[%mul3A_40, %dma_start3A_45] : memref<10240x144xf32, #tpu.memory_space<vmem_shared>> -> memref<640x144xf32, #tpu.memory_space<vmem_shared>>
      tpu.enqueue_dma source(%dma_start3A_46 : memref<640x144xf32, #tpu.memory_space<vmem_shared>>) target(%dma_start3A_44 : memref<640x144xf32, #tpu.memory_space<hbm>>) target_semaphore(%run_scoped3A : memref<!tpu.dma_semaphore, #tpu.memory_space<semaphore_mem>>)
      %dma_wait3A = arith.constant 0 : i32
      %dma_wait3A_47 = tpu.memref_slice %arg8[%arg0, %mul3A_42, %dma_wait3A] : memref<2x10240x144xf32, #tpu.memory_space<hbm>> -> memref<1x640x144xf32, #tpu.memory_space<hbm>>
      %dma_wait3A_48 = tpu.memref_squeeze %dma_wait3A_47 : memref<1x640x144xf32, #tpu.memory_space<hbm>> -> memref<640x144xf32, #tpu.memory_space<hbm>>
      %dma_wait3A_49 = arith.constant 0 : i32
      %dma_wait3A_50 = tpu.memref_slice %arg14[%mul3A_40, %dma_wait3A_49] : memref<10240x144xf32, #tpu.memory_space<vmem_shared>> -> memref<640x144xf32, #tpu.memory_space<vmem_shared>>
      tpu.wait_dma2 semaphore(%run_scoped3A : memref<!tpu.dma_semaphore, #tpu.memory_space<semaphore_mem>>) src(%dma_wait3A_50 : memref<640x144xf32, #tpu.memory_space<vmem_shared>>) dst(%dma_wait3A_48 : memref<640x144xf32, #tpu.memory_space<hbm>>)
      tpu.yield
    }) : () -> ()
    return
  }
}

#map = affine_map<(d0, d1) -> (0)>
#map1 = affine_map<(d0, d1) -> (0, 0)>
#map2 = affine_map<(d0, d1) -> (0, 0, 0)>
module attributes {stable_mosaic.version = 14 : i64} {
  func.func @_sc_edge_pass2(%arg0: i32, %arg1: i32, %arg2: memref<320000xi32, #tpu.memory_space<hbm>>, %arg3: memref<320000xi32, #tpu.memory_space<hbm>>, %arg4: memref<10000x48xf32, #tpu.memory_space<hbm>>, %arg5: memref<10000x16xf32, #tpu.memory_space<hbm>>, %arg6: memref<10000x16xf32, #tpu.memory_space<hbm>>, %arg7: memref<16xf32, #tpu.memory_space<hbm>>, %arg8: memref<10240x48xf32, #tpu.memory_space<hbm>>, %arg9: memref<2x10240x48xf32, #tpu.memory_space<hbm>>, %arg10: memref<128xi32, #tpu.memory_space<vmem>>, %arg11: memref<128xi32, #tpu.memory_space<vmem>>, %arg12: memref<128x48xf32, #tpu.memory_space<vmem>>, %arg13: memref<128x16xf32, #tpu.memory_space<vmem>>, %arg14: memref<128x16xf32, #tpu.memory_space<vmem>>, %arg15: memref<16xf32, #tpu.memory_space<vmem>>, %arg16: memref<10240x48xf32, #tpu.memory_space<vmem_shared>>, %arg17: memref<!tpu.dma_semaphore, #tpu.memory_space<semaphore_mem>>, %arg18: memref<!tpu.dma_semaphore, #tpu.memory_space<semaphore_mem>>, %arg19: memref<!tpu.dma_semaphore, #tpu.memory_space<semaphore_mem>>) attributes {dimension_semantics = [#tpu.dimension_semantics<core_parallel>, #tpu.dimension_semantics<subcore_parallel>], iteration_bounds = array<i64: 2, 16>, scalar_prefetch = 0 : i64, scratch_operands = 10 : i64, tpu.core_type = #tpu.core_type<sc_vector_subcore>, window_params = [{transform_indices = #map}, {transform_indices = #map}, {transform_indices = #map1}, {transform_indices = #map1}, {transform_indices = #map1}, {transform_indices = #map}, {transform_indices = #map1}, {transform_indices = #map2}]} {
    %mul3A = arith.constant 2 : i32
    %mul3A_0 = arith.muli %arg1, %mul3A : i32
    %add3A = arith.addi %mul3A_0, %arg0 : i32
    "tpu.region"() ({
      %run_scoped3A = tpu.sem_alloc : memref<!tpu.dma_semaphore, #tpu.memory_space<semaphore_mem>>
      tpu.enqueue_dma source(%arg7 : memref<16xf32, #tpu.memory_space<hbm>>) target(%arg15 : memref<16xf32, #tpu.memory_space<vmem>>) target_semaphore(%run_scoped3A : memref<!tpu.dma_semaphore, #tpu.memory_space<semaphore_mem>>)
      tpu.wait_dma2 semaphore(%run_scoped3A : memref<!tpu.dma_semaphore, #tpu.memory_space<semaphore_mem>>) src(%arg7 : memref<16xf32, #tpu.memory_space<hbm>>) dst(%arg15 : memref<16xf32, #tpu.memory_space<vmem>>)
      tpu.yield
    }) : () -> ()
    %mul3A_1 = arith.constant 640 : i32
    %mul3A_2 = arith.muli %arg1, %mul3A_1 : i32
    %mul3A_3 = arith.constant 640 : i32
    %mul3A_4 = arith.muli %arg1, %mul3A_3 : i32
    "tpu.region"() ({
      %run_scoped3A = tpu.sem_alloc : memref<!tpu.dma_semaphore, #tpu.memory_space<semaphore_mem>>
      %dma_start3A = arith.constant 0 : i32
      %dma_start3A_43 = tpu.memref_slice %arg16[%mul3A_4, %dma_start3A] : memref<10240x48xf32, #tpu.memory_space<vmem_shared>> -> memref<640x48xf32, #tpu.memory_space<vmem_shared>>
      %dma_start3A_44 = arith.constant 0 : i32
      %dma_start3A_45 = tpu.memref_slice %arg8[%mul3A_2, %dma_start3A_44] : memref<10240x48xf32, #tpu.memory_space<hbm>> -> memref<640x48xf32, #tpu.memory_space<hbm>>
      tpu.enqueue_dma source(%dma_start3A_45 : memref<640x48xf32, #tpu.memory_space<hbm>>) target(%dma_start3A_43 : memref<640x48xf32, #tpu.memory_space<vmem_shared>>) target_semaphore(%run_scoped3A : memref<!tpu.dma_semaphore, #tpu.memory_space<semaphore_mem>>)
      %dma_wait3A = arith.constant 0 : i32
      %dma_wait3A_46 = tpu.memref_slice %arg16[%mul3A_4, %dma_wait3A] : memref<10240x48xf32, #tpu.memory_space<vmem_shared>> -> memref<640x48xf32, #tpu.memory_space<vmem_shared>>
      %dma_wait3A_47 = arith.constant 0 : i32
      %dma_wait3A_48 = tpu.memref_slice %arg8[%mul3A_2, %dma_wait3A_47] : memref<10240x48xf32, #tpu.memory_space<hbm>> -> memref<640x48xf32, #tpu.memory_space<hbm>>
      tpu.wait_dma2 semaphore(%run_scoped3A : memref<!tpu.dma_semaphore, #tpu.memory_space<semaphore_mem>>) src(%dma_wait3A_48 : memref<640x48xf32, #tpu.memory_space<hbm>>) dst(%dma_wait3A_46 : memref<640x48xf32, #tpu.memory_space<vmem_shared>>)
      tpu.yield
    }) : () -> ()
    %barrier3A = arith.constant 0 : index
    tpu.barrier barrier_id(%barrier3A)
    %sub3A = arith.constant 2500 : i32
    %sub3A_5 = arith.subi %sub3A, %add3A : i32
    %add3A_6 = arith.constant 32 : i32
    %add3A_7 = arith.addi %sub3A_5, %add3A_6 : i32
    %sub3A_8 = arith.constant 1 : i32
    %sub3A_9 = arith.subi %add3A_7, %sub3A_8 : i32
    %jit3A = arith.constant 32 : i32
    %div3A = arith.divsi %sub3A_9, %jit3A : i32
    %sign3A = arith.constant 0 : i32
    %sign3A_10 = arith.cmpi sgt, %sub3A_9, %sign3A : i32
    %sign3A_11 = arith.extui %sign3A_10 : i1 to i32
    %sign3A_12 = arith.constant 0 : i32
    %sign3A_13 = arith.cmpi slt, %sub3A_9, %sign3A_12 : i32
    %sign3A_14 = arith.extui %sign3A_13 : i1 to i32
    %sign3A_15 = arith.subi %sign3A_11, %sign3A_14 : i32
    %sign3A_16 = arith.constant 0 : i32
    %sign3A_17 = arith.cmpi sgt, %jit3A, %sign3A_16 : i32
    %sign3A_18 = arith.extui %sign3A_17 : i1 to i32
    %sign3A_19 = arith.constant 0 : i32
    %sign3A_20 = arith.cmpi slt, %jit3A, %sign3A_19 : i32
    %sign3A_21 = arith.extui %sign3A_20 : i1 to i32
    %sign3A_22 = arith.subi %sign3A_18, %sign3A_21 : i32
    %ne3A = arith.cmpi ne, %sign3A_15, %sign3A_22 : i32
    %rem3A = arith.remsi %sub3A_9, %jit3A : i32
    %ne3A_23 = arith.constant 0 : i32
    %ne3A_24 = arith.cmpi ne, %rem3A, %ne3A_23 : i32
    %and3A = arith.andi %ne3A, %ne3A_24 : i1
    %sub3A_25 = arith.constant 1 : i32
    %sub3A_26 = arith.subi %div3A, %sub3A_25 : i32
    %select_n3A = arith.select %and3A, %sub3A_26, %div3A : i32
    %while3A = arith.constant 0 : i32
    %while3A_27 = arith.constant 0 : i32
    %while3A_28 = arith.subi %select_n3A, %while3A : i32
    %while3A_29 = arith.addi %while3A, %while3A_28 : i32
    %while3A_30 = arith.constant 1 : i32
    %while3A_31 = arith.divsi %while3A_28, %while3A_30 : i32
    %while3A_32 = arith.muli %while3A_31, %while3A_30 : i32
    %while3A_33 = arith.addi %while3A, %while3A_32 : i32
    %while3A_34 = arith.constant 1 : i32
    %while3A_35 = scf.for %while3A_43 = %while3A to %while3A_33 step %while3A_34 iter_args(%while3A_44 = %while3A_27) -> (i32)  : i32 {
      %mul3A_45 = arith.constant 32 : i32
      %mul3A_46 = arith.muli %while3A_43, %mul3A_45 : i32
      %add3A_47 = arith.addi %add3A, %mul3A_46 : i32
      %mul3A_48 = arith.constant 128 : i32
      %mul3A_49 = arith.muli %add3A_47, %mul3A_48 : i32
      "tpu.region"() ({
        %run_scoped3A = tpu.sem_alloc : memref<!tpu.dma_semaphore, #tpu.memory_space<semaphore_mem>>
        %dma_start3A_77 = tpu.memref_slice %arg2[%mul3A_49] : memref<320000xi32, #tpu.memory_space<hbm>> -> memref<128xi32, #tpu.memory_space<hbm>>
        %dma_start3A_78 = tpu.memref_slice %arg2[%mul3A_49] : memref<320000xi32, #tpu.memory_space<hbm>> -> memref<128xi32, #tpu.memory_space<hbm>>
        tpu.enqueue_dma source(%dma_start3A_78 : memref<128xi32, #tpu.memory_space<hbm>>) target(%arg10 : memref<128xi32, #tpu.memory_space<vmem>>) target_semaphore(%run_scoped3A : memref<!tpu.dma_semaphore, #tpu.memory_space<semaphore_mem>>)
        %dma_wait3A_79 = tpu.memref_slice %arg2[%mul3A_49] : memref<320000xi32, #tpu.memory_space<hbm>> -> memref<128xi32, #tpu.memory_space<hbm>>
        %dma_wait3A_80 = tpu.memref_slice %arg2[%mul3A_49] : memref<320000xi32, #tpu.memory_space<hbm>> -> memref<128xi32, #tpu.memory_space<hbm>>
        tpu.wait_dma2 semaphore(%run_scoped3A : memref<!tpu.dma_semaphore, #tpu.memory_space<semaphore_mem>>) src(%dma_wait3A_80 : memref<128xi32, #tpu.memory_space<hbm>>) dst(%arg10 : memref<128xi32, #tpu.memory_space<vmem>>)
        tpu.yield
      }) : () -> ()
      %mul3A_50 = arith.constant 128 : i32
      %mul3A_51 = arith.muli %add3A_47, %mul3A_50 : i32
      "tpu.region"() ({
        %run_scoped3A = tpu.sem_alloc : memref<!tpu.dma_semaphore, #tpu.memory_space<semaphore_mem>>
        %dma_start3A_77 = tpu.memref_slice %arg3[%mul3A_51] : memref<320000xi32, #tpu.memory_space<hbm>> -> memref<128xi32, #tpu.memory_space<hbm>>
        %dma_start3A_78 = tpu.memref_slice %arg3[%mul3A_51] : memref<320000xi32, #tpu.memory_space<hbm>> -> memref<128xi32, #tpu.memory_space<hbm>>
        tpu.enqueue_dma source(%dma_start3A_78 : memref<128xi32, #tpu.memory_space<hbm>>) target(%arg11 : memref<128xi32, #tpu.memory_space<vmem>>) target_semaphore(%run_scoped3A : memref<!tpu.dma_semaphore, #tpu.memory_space<semaphore_mem>>)
        %dma_wait3A_79 = tpu.memref_slice %arg3[%mul3A_51] : memref<320000xi32, #tpu.memory_space<hbm>> -> memref<128xi32, #tpu.memory_space<hbm>>
        %dma_wait3A_80 = tpu.memref_slice %arg3[%mul3A_51] : memref<320000xi32, #tpu.memory_space<hbm>> -> memref<128xi32, #tpu.memory_space<hbm>>
        tpu.wait_dma2 semaphore(%run_scoped3A : memref<!tpu.dma_semaphore, #tpu.memory_space<semaphore_mem>>) src(%dma_wait3A_80 : memref<128xi32, #tpu.memory_space<hbm>>) dst(%arg11 : memref<128xi32, #tpu.memory_space<vmem>>)
        tpu.yield
      }) : () -> ()
      %dma_start3A = arith.constant 0 : i32
      %dma_start3A_52 = arith.constant 0 : i32
      %dma_start3A_53 = tpu.memref_slice %arg4[%dma_start3A, %dma_start3A_52] : memref<10000x48xf32, #tpu.memory_space<hbm>> -> memref<10000x48xf32, #tpu.memory_space<hbm>>
      tpu.enqueue_indirect_dma source(%dma_start3A_53 : memref<10000x48xf32, #tpu.memory_space<hbm>>) target(%arg12 : memref<128x48xf32, #tpu.memory_space<vmem>>) offsets(%arg10 : memref<128xi32, #tpu.memory_space<vmem>>) semaphore(%arg17 : memref<!tpu.dma_semaphore, #tpu.memory_space<semaphore_mem>>)
      %dma_start3A_54 = arith.constant 0 : i32
      %dma_start3A_55 = arith.constant 0 : i32
      %dma_start3A_56 = tpu.memref_slice %arg5[%dma_start3A_54, %dma_start3A_55] : memref<10000x16xf32, #tpu.memory_space<hbm>> -> memref<10000x16xf32, #tpu.memory_space<hbm>>
      tpu.enqueue_indirect_dma source(%dma_start3A_56 : memref<10000x16xf32, #tpu.memory_space<hbm>>) target(%arg13 : memref<128x16xf32, #tpu.memory_space<vmem>>) offsets(%arg10 : memref<128xi32, #tpu.memory_space<vmem>>) semaphore(%arg18 : memref<!tpu.dma_semaphore, #tpu.memory_space<semaphore_mem>>)
      %dma_start3A_57 = arith.constant 0 : i32
      %dma_start3A_58 = arith.constant 0 : i32
      %dma_start3A_59 = tpu.memref_slice %arg6[%dma_start3A_57, %dma_start3A_58] : memref<10000x16xf32, #tpu.memory_space<hbm>> -> memref<10000x16xf32, #tpu.memory_space<hbm>>
      tpu.enqueue_indirect_dma source(%dma_start3A_59 : memref<10000x16xf32, #tpu.memory_space<hbm>>) target(%arg14 : memref<128x16xf32, #tpu.memory_space<vmem>>) offsets(%arg11 : memref<128xi32, #tpu.memory_space<vmem>>) semaphore(%arg19 : memref<!tpu.dma_semaphore, #tpu.memory_space<semaphore_mem>>)
      %dma_wait3A = arith.constant 0 : i32
      %dma_wait3A_60 = arith.constant 0 : i32
      %dma_wait3A_61 = tpu.memref_slice %arg4[%dma_wait3A, %dma_wait3A_60] : memref<10000x48xf32, #tpu.memory_space<hbm>> -> memref<10000x48xf32, #tpu.memory_space<hbm>>
      tpu.wait_indirect_dma semaphore(%arg17 : memref<!tpu.dma_semaphore, #tpu.memory_space<semaphore_mem>>) src(%dma_wait3A_61 : memref<10000x48xf32, #tpu.memory_space<hbm>>) dst(%arg12 : memref<128x48xf32, #tpu.memory_space<vmem>>)
      %dma_wait3A_62 = arith.constant 0 : i32
      %dma_wait3A_63 = arith.constant 0 : i32
      %dma_wait3A_64 = tpu.memref_slice %arg5[%dma_wait3A_62, %dma_wait3A_63] : memref<10000x16xf32, #tpu.memory_space<hbm>> -> memref<10000x16xf32, #tpu.memory_space<hbm>>
      tpu.wait_indirect_dma semaphore(%arg18 : memref<!tpu.dma_semaphore, #tpu.memory_space<semaphore_mem>>) src(%dma_wait3A_64 : memref<10000x16xf32, #tpu.memory_space<hbm>>) dst(%arg13 : memref<128x16xf32, #tpu.memory_space<vmem>>)
      %dma_wait3A_65 = arith.constant 0 : i32
      %dma_wait3A_66 = arith.constant 0 : i32
      %dma_wait3A_67 = tpu.memref_slice %arg6[%dma_wait3A_65, %dma_wait3A_66] : memref<10000x16xf32, #tpu.memory_space<hbm>> -> memref<10000x16xf32, #tpu.memory_space<hbm>>
      tpu.wait_indirect_dma semaphore(%arg19 : memref<!tpu.dma_semaphore, #tpu.memory_space<semaphore_mem>>) src(%dma_wait3A_67 : memref<10000x16xf32, #tpu.memory_space<hbm>>) dst(%arg14 : memref<128x16xf32, #tpu.memory_space<vmem>>)
      %get3A = arith.constant 0 : index
      %get3A_68 = tpu.vector_load %arg15[%get3A] {strides = array<i32>} : memref<16xf32, #tpu.memory_space<vmem>>, vector<16xf32>,
      %get3A_69 = vector.shape_cast %get3A_68 : vector<16xf32> to vector<16xf32>
      %scan3A = arith.constant 0 : i32
      %scan3A_70 = arith.constant 0 : i32
      %scan3A_71 = arith.constant 128 : i32
      %scan3A_72 = arith.addi %scan3A_70, %scan3A_71 : i32
      %scan3A_73 = arith.constant 2 : i32
      %scan3A_74 = scf.for %scan3A_77 = %scan3A_70 to %scan3A_72 step %scan3A_73 iter_args(%scan3A_78 = %scan3A) -> (i32)  : i32 {
        %get3A_79 = arith.index_cast %scan3A_77 : i32 to index
        %get3A_80 = arith.constant 0 : index
        %get3A_81 = tpu.vector_load %arg13[%get3A_79, %get3A_80] {strides = array<i32>} : memref<128x16xf32, #tpu.memory_space<vmem>>, vector<1x16xf32>,
        %get3A_82 = vector.shape_cast %get3A_81 : vector<1x16xf32> to vector<16xf32>
        %get3A_83 = arith.index_cast %scan3A_77 : i32 to index
        %get3A_84 = arith.constant 0 : index
        %get3A_85 = tpu.vector_load %arg14[%get3A_83, %get3A_84] {strides = array<i32>} : memref<128x16xf32, #tpu.memory_space<vmem>>, vector<1x16xf32>,
        %get3A_86 = vector.shape_cast %get3A_85 : vector<1x16xf32> to vector<16xf32>
        %add3A_87 = arith.addf %get3A_82, %get3A_86 : vector<16xf32>
        %mul3A_88 = arith.constant 2.000000e-01 : f32
        %mul3A_89 = vector.broadcast %mul3A_88 : f32 to vector<16xf32>
        %mul3A_90 = arith.mulf %mul3A_89, %add3A_87 : vector<16xf32>
        %max3A = arith.maximumf %add3A_87, %mul3A_90 : vector<16xf32>
        %sub3A_91 = arith.subf %max3A, %get3A_69 : vector<16xf32>
        %exp3A = math.exp %sub3A_91 : vector<16xf32>
        %get3A_92 = arith.index_cast %scan3A_77 : i32 to index
        %get3A_93 = arith.constant 0 : index
        %get3A_94 = tpu.vector_load %arg12[%get3A_92, %get3A_93] {strides = array<i32>} : memref<128x48xf32, #tpu.memory_space<vmem>>, vector<1x16xf32>,
        %get3A_95 = vector.shape_cast %get3A_94 : vector<1x16xf32> to vector<16xf32>
        %mul3A_96 = arith.mulf %get3A_95, %exp3A : vector<16xf32>
        %swap3A = arith.index_cast %scan3A_77 : i32 to index
        %swap3A_97 = arith.constant 0 : index
        %swap3A_98 = tpu.vector_load %arg12[%swap3A, %swap3A_97] {strides = array<i32>} : memref<128x48xf32, #tpu.memory_space<vmem>>, vector<1x16xf32>,
        %swap3A_99 = vector.shape_cast %swap3A_98 : vector<1x16xf32> to vector<16xf32>
        %swap3A_100 = vector.shape_cast %mul3A_96 : vector<16xf32> to vector<1x16xf32>
        tpu.vector_store %arg12[%swap3A, %swap3A_97], %swap3A_100 {strides = array<i32>} : memref<128x48xf32, #tpu.memory_space<vmem>>, vector<1x16xf32>,
        %get3A_101 = arith.index_cast %scan3A_77 : i32 to index
        %get3A_102 = arith.constant 16 : index
        %get3A_103 = tpu.vector_load %arg12[%get3A_101, %get3A_102] {strides = array<i32>} : memref<128x48xf32, #tpu.memory_space<vmem>>, vector<1x16xf32>,
        %get3A_104 = vector.shape_cast %get3A_103 : vector<1x16xf32> to vector<16xf32>
        %mul3A_105 = arith.mulf %get3A_104, %exp3A : vector<16xf32>
        %swap3A_106 = arith.index_cast %scan3A_77 : i32 to index
        %swap3A_107 = arith.constant 16 : index
        %swap3A_108 = tpu.vector_load %arg12[%swap3A_106, %swap3A_107] {strides = array<i32>} : memref<128x48xf32, #tpu.memory_space<vmem>>, vector<1x16xf32>,
        %swap3A_109 = vector.shape_cast %swap3A_108 : vector<1x16xf32> to vector<16xf32>
        %swap3A_110 = vector.shape_cast %mul3A_105 : vector<16xf32> to vector<1x16xf32>
        tpu.vector_store %arg12[%swap3A_106, %swap3A_107], %swap3A_110 {strides = array<i32>} : memref<128x48xf32, #tpu.memory_space<vmem>>, vector<1x16xf32>,
        %get3A_111 = arith.index_cast %scan3A_77 : i32 to index
        %get3A_112 = arith.constant 32 : index
        %get3A_113 = tpu.vector_load %arg12[%get3A_111, %get3A_112] {strides = array<i32>} : memref<128x48xf32, #tpu.memory_space<vmem>>, vector<1x16xf32>,
        %get3A_114 = vector.shape_cast %get3A_113 : vector<1x16xf32> to vector<16xf32>
        %mul3A_115 = arith.mulf %get3A_114, %exp3A : vector<16xf32>
        %swap3A_116 = arith.index_cast %scan3A_77 : i32 to index
        %swap3A_117 = arith.constant 32 : index
        %swap3A_118 = tpu.vector_load %arg12[%swap3A_116, %swap3A_117] {strides = array<i32>} : memref<128x48xf32, #tpu.memory_space<vmem>>, vector<1x16xf32>,
        %swap3A_119 = vector.shape_cast %swap3A_118 : vector<1x16xf32> to vector<16xf32>
        %swap3A_120 = vector.shape_cast %mul3A_115 : vector<16xf32> to vector<1x16xf32>
        tpu.vector_store %arg12[%swap3A_116, %swap3A_117], %swap3A_120 {strides = array<i32>} : memref<128x48xf32, #tpu.memory_space<vmem>>, vector<1x16xf32>,
        %scan3A_121 = arith.constant 0 : i32
        %scan3A_122 = arith.constant 1 : i32
        %scan3A_123 = arith.addi %scan3A_77, %scan3A_122 : i32
        %get3A_124 = arith.index_cast %scan3A_123 : i32 to index
        %get3A_125 = arith.constant 0 : index
        %get3A_126 = tpu.vector_load %arg13[%get3A_124, %get3A_125] {strides = array<i32>} : memref<128x16xf32, #tpu.memory_space<vmem>>, vector<1x16xf32>,
        %get3A_127 = vector.shape_cast %get3A_126 : vector<1x16xf32> to vector<16xf32>
        %get3A_128 = arith.index_cast %scan3A_123 : i32 to index
        %get3A_129 = arith.constant 0 : index
        %get3A_130 = tpu.vector_load %arg14[%get3A_128, %get3A_129] {strides = array<i32>} : memref<128x16xf32, #tpu.memory_space<vmem>>, vector<1x16xf32>,
        %get3A_131 = vector.shape_cast %get3A_130 : vector<1x16xf32> to vector<16xf32>
        %add3A_132 = arith.addf %get3A_127, %get3A_131 : vector<16xf32>
        %mul3A_133 = arith.constant 2.000000e-01 : f32
        %mul3A_134 = vector.broadcast %mul3A_133 : f32 to vector<16xf32>
        %mul3A_135 = arith.mulf %mul3A_134, %add3A_132 : vector<16xf32>
        %max3A_136 = arith.maximumf %add3A_132, %mul3A_135 : vector<16xf32>
        %sub3A_137 = arith.subf %max3A_136, %get3A_69 : vector<16xf32>
        %exp3A_138 = math.exp %sub3A_137 : vector<16xf32>
        %get3A_139 = arith.index_cast %scan3A_123 : i32 to index
        %get3A_140 = arith.constant 0 : index
        %get3A_141 = tpu.vector_load %arg12[%get3A_139, %get3A_140] {strides = array<i32>} : memref<128x48xf32, #tpu.memory_space<vmem>>, vector<1x16xf32>,
        %get3A_142 = vector.shape_cast %get3A_141 : vector<1x16xf32> to vector<16xf32>
        %mul3A_143 = arith.mulf %get3A_142, %exp3A_138 : vector<16xf32>
        %swap3A_144 = arith.index_cast %scan3A_123 : i32 to index
        %swap3A_145 = arith.constant 0 : index
        %swap3A_146 = tpu.vector_load %arg12[%swap3A_144, %swap3A_145] {strides = array<i32>} : memref<128x48xf32, #tpu.memory_space<vmem>>, vector<1x16xf32>,
        %swap3A_147 = vector.shape_cast %swap3A_146 : vector<1x16xf32> to vector<16xf32>
        %swap3A_148 = vector.shape_cast %mul3A_143 : vector<16xf32> to vector<1x16xf32>
        tpu.vector_store %arg12[%swap3A_144, %swap3A_145], %swap3A_148 {strides = array<i32>} : memref<128x48xf32, #tpu.memory_space<vmem>>, vector<1x16xf32>,
        %get3A_149 = arith.index_cast %scan3A_123 : i32 to index
        %get3A_150 = arith.constant 16 : index
        %get3A_151 = tpu.vector_load %arg12[%get3A_149, %get3A_150] {strides = array<i32>} : memref<128x48xf32, #tpu.memory_space<vmem>>, vector<1x16xf32>,
        %get3A_152 = vector.shape_cast %get3A_151 : vector<1x16xf32> to vector<16xf32>
        %mul3A_153 = arith.mulf %get3A_152, %exp3A_138 : vector<16xf32>
        %swap3A_154 = arith.index_cast %scan3A_123 : i32 to index
        %swap3A_155 = arith.constant 16 : index
        %swap3A_156 = tpu.vector_load %arg12[%swap3A_154, %swap3A_155] {strides = array<i32>} : memref<128x48xf32, #tpu.memory_space<vmem>>, vector<1x16xf32>,
        %swap3A_157 = vector.shape_cast %swap3A_156 : vector<1x16xf32> to vector<16xf32>
        %swap3A_158 = vector.shape_cast %mul3A_153 : vector<16xf32> to vector<1x16xf32>
        tpu.vector_store %arg12[%swap3A_154, %swap3A_155], %swap3A_158 {strides = array<i32>} : memref<128x48xf32, #tpu.memory_space<vmem>>, vector<1x16xf32>,
        %get3A_159 = arith.index_cast %scan3A_123 : i32 to index
        %get3A_160 = arith.constant 32 : index
        %get3A_161 = tpu.vector_load %arg12[%get3A_159, %get3A_160] {strides = array<i32>} : memref<128x48xf32, #tpu.memory_space<vmem>>, vector<1x16xf32>,
        %get3A_162 = vector.shape_cast %get3A_161 : vector<1x16xf32> to vector<16xf32>
        %mul3A_163 = arith.mulf %get3A_162, %exp3A_138 : vector<16xf32>
        %swap3A_164 = arith.index_cast %scan3A_123 : i32 to index
        %swap3A_165 = arith.constant 32 : index
        %swap3A_166 = tpu.vector_load %arg12[%swap3A_164, %swap3A_165] {strides = array<i32>} : memref<128x48xf32, #tpu.memory_space<vmem>>, vector<1x16xf32>,
        %swap3A_167 = vector.shape_cast %swap3A_166 : vector<1x16xf32> to vector<16xf32>
        %swap3A_168 = vector.shape_cast %mul3A_163 : vector<16xf32> to vector<1x16xf32>
        tpu.vector_store %arg12[%swap3A_164, %swap3A_165], %swap3A_168 {strides = array<i32>} : memref<128x48xf32, #tpu.memory_space<vmem>>, vector<1x16xf32>,
        %scan3A_169 = arith.constant 0 : i32
        scf.yield %scan3A_169 : i32
      }
      %scan3A_75 = arith.constant 128 : i32
      "tpu.region"() ({
        %run_scoped3A = tpu.sem_alloc : memref<!tpu.dma_semaphore, #tpu.memory_space<semaphore_mem>>
        %dma_start3A_77 = arith.constant 0 : i32
        %dma_start3A_78 = arith.constant 0 : i32
        %dma_start3A_79 = tpu.memref_slice %arg16[%dma_start3A_77, %dma_start3A_78] : memref<10240x48xf32, #tpu.memory_space<vmem_shared>> -> memref<10240x48xf32, #tpu.memory_space<vmem_shared>>
        tpu.enqueue_indirect_dma source(%arg12 : memref<128x48xf32, #tpu.memory_space<vmem>>) target(%dma_start3A_79 : memref<10240x48xf32, #tpu.memory_space<vmem_shared>>) offsets(%arg11 : memref<128xi32, #tpu.memory_space<vmem>>) semaphore(%run_scoped3A : memref<!tpu.dma_semaphore, #tpu.memory_space<semaphore_mem>>) {add = true}
        %dma_wait3A_80 = arith.constant 0 : i32
        %dma_wait3A_81 = arith.constant 0 : i32
        %dma_wait3A_82 = tpu.memref_slice %arg16[%dma_wait3A_80, %dma_wait3A_81] : memref<10240x48xf32, #tpu.memory_space<vmem_shared>> -> memref<10240x48xf32, #tpu.memory_space<vmem_shared>>
        tpu.wait_indirect_dma semaphore(%run_scoped3A : memref<!tpu.dma_semaphore, #tpu.memory_space<semaphore_mem>>) src(%arg12 : memref<128x48xf32, #tpu.memory_space<vmem>>) dst(%dma_wait3A_82 : memref<10240x48xf32, #tpu.memory_space<vmem_shared>>)
        tpu.yield
      }) : () -> ()
      %while3A_76 = arith.constant 0 : i32
      scf.yield %while3A_76 : i32
    }
    %while3A_36 = arith.constant 1 : i32
    %while3A_37 = scf.for %while3A_43 = %while3A_33 to %while3A_29 step %while3A_36 iter_args(%while3A_44 = %while3A_35) -> (i32)  : i32 {
      %mul3A_45 = arith.constant 32 : i32
      %mul3A_46 = arith.muli %while3A_43, %mul3A_45 : i32
      %add3A_47 = arith.addi %add3A, %mul3A_46 : i32
      %mul3A_48 = arith.constant 128 : i32
      %mul3A_49 = arith.muli %add3A_47, %mul3A_48 : i32
      "tpu.region"() ({
        %run_scoped3A = tpu.sem_alloc : memref<!tpu.dma_semaphore, #tpu.memory_space<semaphore_mem>>
        %dma_start3A_77 = tpu.memref_slice %arg2[%mul3A_49] : memref<320000xi32, #tpu.memory_space<hbm>> -> memref<128xi32, #tpu.memory_space<hbm>>
        %dma_start3A_78 = tpu.memref_slice %arg2[%mul3A_49] : memref<320000xi32, #tpu.memory_space<hbm>> -> memref<128xi32, #tpu.memory_space<hbm>>
        tpu.enqueue_dma source(%dma_start3A_78 : memref<128xi32, #tpu.memory_space<hbm>>) target(%arg10 : memref<128xi32, #tpu.memory_space<vmem>>) target_semaphore(%run_scoped3A : memref<!tpu.dma_semaphore, #tpu.memory_space<semaphore_mem>>)
        %dma_wait3A_79 = tpu.memref_slice %arg2[%mul3A_49] : memref<320000xi32, #tpu.memory_space<hbm>> -> memref<128xi32, #tpu.memory_space<hbm>>
        %dma_wait3A_80 = tpu.memref_slice %arg2[%mul3A_49] : memref<320000xi32, #tpu.memory_space<hbm>> -> memref<128xi32, #tpu.memory_space<hbm>>
        tpu.wait_dma2 semaphore(%run_scoped3A : memref<!tpu.dma_semaphore, #tpu.memory_space<semaphore_mem>>) src(%dma_wait3A_80 : memref<128xi32, #tpu.memory_space<hbm>>) dst(%arg10 : memref<128xi32, #tpu.memory_space<vmem>>)
        tpu.yield
      }) : () -> ()
      %mul3A_50 = arith.constant 128 : i32
      %mul3A_51 = arith.muli %add3A_47, %mul3A_50 : i32
      "tpu.region"() ({
        %run_scoped3A = tpu.sem_alloc : memref<!tpu.dma_semaphore, #tpu.memory_space<semaphore_mem>>
        %dma_start3A_77 = tpu.memref_slice %arg3[%mul3A_51] : memref<320000xi32, #tpu.memory_space<hbm>> -> memref<128xi32, #tpu.memory_space<hbm>>
        %dma_start3A_78 = tpu.memref_slice %arg3[%mul3A_51] : memref<320000xi32, #tpu.memory_space<hbm>> -> memref<128xi32, #tpu.memory_space<hbm>>
        tpu.enqueue_dma source(%dma_start3A_78 : memref<128xi32, #tpu.memory_space<hbm>>) target(%arg11 : memref<128xi32, #tpu.memory_space<vmem>>) target_semaphore(%run_scoped3A : memref<!tpu.dma_semaphore, #tpu.memory_space<semaphore_mem>>)
        %dma_wait3A_79 = tpu.memref_slice %arg3[%mul3A_51] : memref<320000xi32, #tpu.memory_space<hbm>> -> memref<128xi32, #tpu.memory_space<hbm>>
        %dma_wait3A_80 = tpu.memref_slice %arg3[%mul3A_51] : memref<320000xi32, #tpu.memory_space<hbm>> -> memref<128xi32, #tpu.memory_space<hbm>>
        tpu.wait_dma2 semaphore(%run_scoped3A : memref<!tpu.dma_semaphore, #tpu.memory_space<semaphore_mem>>) src(%dma_wait3A_80 : memref<128xi32, #tpu.memory_space<hbm>>) dst(%arg11 : memref<128xi32, #tpu.memory_space<vmem>>)
        tpu.yield
      }) : () -> ()
      %dma_start3A = arith.constant 0 : i32
      %dma_start3A_52 = arith.constant 0 : i32
      %dma_start3A_53 = tpu.memref_slice %arg4[%dma_start3A, %dma_start3A_52] : memref<10000x48xf32, #tpu.memory_space<hbm>> -> memref<10000x48xf32, #tpu.memory_space<hbm>>
      tpu.enqueue_indirect_dma source(%dma_start3A_53 : memref<10000x48xf32, #tpu.memory_space<hbm>>) target(%arg12 : memref<128x48xf32, #tpu.memory_space<vmem>>) offsets(%arg10 : memref<128xi32, #tpu.memory_space<vmem>>) semaphore(%arg17 : memref<!tpu.dma_semaphore, #tpu.memory_space<semaphore_mem>>)
      %dma_start3A_54 = arith.constant 0 : i32
      %dma_start3A_55 = arith.constant 0 : i32
      %dma_start3A_56 = tpu.memref_slice %arg5[%dma_start3A_54, %dma_start3A_55] : memref<10000x16xf32, #tpu.memory_space<hbm>> -> memref<10000x16xf32, #tpu.memory_space<hbm>>
      tpu.enqueue_indirect_dma source(%dma_start3A_56 : memref<10000x16xf32, #tpu.memory_space<hbm>>) target(%arg13 : memref<128x16xf32, #tpu.memory_space<vmem>>) offsets(%arg10 : memref<128xi32, #tpu.memory_space<vmem>>) semaphore(%arg18 : memref<!tpu.dma_semaphore, #tpu.memory_space<semaphore_mem>>)
      %dma_start3A_57 = arith.constant 0 : i32
      %dma_start3A_58 = arith.constant 0 : i32
      %dma_start3A_59 = tpu.memref_slice %arg6[%dma_start3A_57, %dma_start3A_58] : memref<10000x16xf32, #tpu.memory_space<hbm>> -> memref<10000x16xf32, #tpu.memory_space<hbm>>
      tpu.enqueue_indirect_dma source(%dma_start3A_59 : memref<10000x16xf32, #tpu.memory_space<hbm>>) target(%arg14 : memref<128x16xf32, #tpu.memory_space<vmem>>) offsets(%arg11 : memref<128xi32, #tpu.memory_space<vmem>>) semaphore(%arg19 : memref<!tpu.dma_semaphore, #tpu.memory_space<semaphore_mem>>)
      %dma_wait3A = arith.constant 0 : i32
      %dma_wait3A_60 = arith.constant 0 : i32
      %dma_wait3A_61 = tpu.memref_slice %arg4[%dma_wait3A, %dma_wait3A_60] : memref<10000x48xf32, #tpu.memory_space<hbm>> -> memref<10000x48xf32, #tpu.memory_space<hbm>>
      tpu.wait_indirect_dma semaphore(%arg17 : memref<!tpu.dma_semaphore, #tpu.memory_space<semaphore_mem>>) src(%dma_wait3A_61 : memref<10000x48xf32, #tpu.memory_space<hbm>>) dst(%arg12 : memref<128x48xf32, #tpu.memory_space<vmem>>)
      %dma_wait3A_62 = arith.constant 0 : i32
      %dma_wait3A_63 = arith.constant 0 : i32
      %dma_wait3A_64 = tpu.memref_slice %arg5[%dma_wait3A_62, %dma_wait3A_63] : memref<10000x16xf32, #tpu.memory_space<hbm>> -> memref<10000x16xf32, #tpu.memory_space<hbm>>
      tpu.wait_indirect_dma semaphore(%arg18 : memref<!tpu.dma_semaphore, #tpu.memory_space<semaphore_mem>>) src(%dma_wait3A_64 : memref<10000x16xf32, #tpu.memory_space<hbm>>) dst(%arg13 : memref<128x16xf32, #tpu.memory_space<vmem>>)
      %dma_wait3A_65 = arith.constant 0 : i32
      %dma_wait3A_66 = arith.constant 0 : i32
      %dma_wait3A_67 = tpu.memref_slice %arg6[%dma_wait3A_65, %dma_wait3A_66] : memref<10000x16xf32, #tpu.memory_space<hbm>> -> memref<10000x16xf32, #tpu.memory_space<hbm>>
      tpu.wait_indirect_dma semaphore(%arg19 : memref<!tpu.dma_semaphore, #tpu.memory_space<semaphore_mem>>) src(%dma_wait3A_67 : memref<10000x16xf32, #tpu.memory_space<hbm>>) dst(%arg14 : memref<128x16xf32, #tpu.memory_space<vmem>>)
      %get3A = arith.constant 0 : index
      %get3A_68 = tpu.vector_load %arg15[%get3A] {strides = array<i32>} : memref<16xf32, #tpu.memory_space<vmem>>, vector<16xf32>,
      %get3A_69 = vector.shape_cast %get3A_68 : vector<16xf32> to vector<16xf32>
      %scan3A = arith.constant 0 : i32
      %scan3A_70 = arith.constant 0 : i32
      %scan3A_71 = arith.constant 128 : i32
      %scan3A_72 = arith.addi %scan3A_70, %scan3A_71 : i32
      %scan3A_73 = arith.constant 2 : i32
      %scan3A_74 = scf.for %scan3A_77 = %scan3A_70 to %scan3A_72 step %scan3A_73 iter_args(%scan3A_78 = %scan3A) -> (i32)  : i32 {
        %get3A_79 = arith.index_cast %scan3A_77 : i32 to index
        %get3A_80 = arith.constant 0 : index
        %get3A_81 = tpu.vector_load %arg13[%get3A_79, %get3A_80] {strides = array<i32>} : memref<128x16xf32, #tpu.memory_space<vmem>>, vector<1x16xf32>,
        %get3A_82 = vector.shape_cast %get3A_81 : vector<1x16xf32> to vector<16xf32>
        %get3A_83 = arith.index_cast %scan3A_77 : i32 to index
        %get3A_84 = arith.constant 0 : index
        %get3A_85 = tpu.vector_load %arg14[%get3A_83, %get3A_84] {strides = array<i32>} : memref<128x16xf32, #tpu.memory_space<vmem>>, vector<1x16xf32>,
        %get3A_86 = vector.shape_cast %get3A_85 : vector<1x16xf32> to vector<16xf32>
        %add3A_87 = arith.addf %get3A_82, %get3A_86 : vector<16xf32>
        %mul3A_88 = arith.constant 2.000000e-01 : f32
        %mul3A_89 = vector.broadcast %mul3A_88 : f32 to vector<16xf32>
        %mul3A_90 = arith.mulf %mul3A_89, %add3A_87 : vector<16xf32>
        %max3A = arith.maximumf %add3A_87, %mul3A_90 : vector<16xf32>
        %sub3A_91 = arith.subf %max3A, %get3A_69 : vector<16xf32>
        %exp3A = math.exp %sub3A_91 : vector<16xf32>
        %get3A_92 = arith.index_cast %scan3A_77 : i32 to index
        %get3A_93 = arith.constant 0 : index
        %get3A_94 = tpu.vector_load %arg12[%get3A_92, %get3A_93] {strides = array<i32>} : memref<128x48xf32, #tpu.memory_space<vmem>>, vector<1x16xf32>,
        %get3A_95 = vector.shape_cast %get3A_94 : vector<1x16xf32> to vector<16xf32>
        %mul3A_96 = arith.mulf %get3A_95, %exp3A : vector<16xf32>
        %swap3A = arith.index_cast %scan3A_77 : i32 to index
        %swap3A_97 = arith.constant 0 : index
        %swap3A_98 = tpu.vector_load %arg12[%swap3A, %swap3A_97] {strides = array<i32>} : memref<128x48xf32, #tpu.memory_space<vmem>>, vector<1x16xf32>,
        %swap3A_99 = vector.shape_cast %swap3A_98 : vector<1x16xf32> to vector<16xf32>
        %swap3A_100 = vector.shape_cast %mul3A_96 : vector<16xf32> to vector<1x16xf32>
        tpu.vector_store %arg12[%swap3A, %swap3A_97], %swap3A_100 {strides = array<i32>} : memref<128x48xf32, #tpu.memory_space<vmem>>, vector<1x16xf32>,
        %get3A_101 = arith.index_cast %scan3A_77 : i32 to index
        %get3A_102 = arith.constant 16 : index
        %get3A_103 = tpu.vector_load %arg12[%get3A_101, %get3A_102] {strides = array<i32>} : memref<128x48xf32, #tpu.memory_space<vmem>>, vector<1x16xf32>,
        %get3A_104 = vector.shape_cast %get3A_103 : vector<1x16xf32> to vector<16xf32>
        %mul3A_105 = arith.mulf %get3A_104, %exp3A : vector<16xf32>
        %swap3A_106 = arith.index_cast %scan3A_77 : i32 to index
        %swap3A_107 = arith.constant 16 : index
        %swap3A_108 = tpu.vector_load %arg12[%swap3A_106, %swap3A_107] {strides = array<i32>} : memref<128x48xf32, #tpu.memory_space<vmem>>, vector<1x16xf32>,
        %swap3A_109 = vector.shape_cast %swap3A_108 : vector<1x16xf32> to vector<16xf32>
        %swap3A_110 = vector.shape_cast %mul3A_105 : vector<16xf32> to vector<1x16xf32>
        tpu.vector_store %arg12[%swap3A_106, %swap3A_107], %swap3A_110 {strides = array<i32>} : memref<128x48xf32, #tpu.memory_space<vmem>>, vector<1x16xf32>,
        %get3A_111 = arith.index_cast %scan3A_77 : i32 to index
        %get3A_112 = arith.constant 32 : index
        %get3A_113 = tpu.vector_load %arg12[%get3A_111, %get3A_112] {strides = array<i32>} : memref<128x48xf32, #tpu.memory_space<vmem>>, vector<1x16xf32>,
        %get3A_114 = vector.shape_cast %get3A_113 : vector<1x16xf32> to vector<16xf32>
        %mul3A_115 = arith.mulf %get3A_114, %exp3A : vector<16xf32>
        %swap3A_116 = arith.index_cast %scan3A_77 : i32 to index
        %swap3A_117 = arith.constant 32 : index
        %swap3A_118 = tpu.vector_load %arg12[%swap3A_116, %swap3A_117] {strides = array<i32>} : memref<128x48xf32, #tpu.memory_space<vmem>>, vector<1x16xf32>,
        %swap3A_119 = vector.shape_cast %swap3A_118 : vector<1x16xf32> to vector<16xf32>
        %swap3A_120 = vector.shape_cast %mul3A_115 : vector<16xf32> to vector<1x16xf32>
        tpu.vector_store %arg12[%swap3A_116, %swap3A_117], %swap3A_120 {strides = array<i32>} : memref<128x48xf32, #tpu.memory_space<vmem>>, vector<1x16xf32>,
        %scan3A_121 = arith.constant 0 : i32
        %scan3A_122 = arith.constant 1 : i32
        %scan3A_123 = arith.addi %scan3A_77, %scan3A_122 : i32
        %get3A_124 = arith.index_cast %scan3A_123 : i32 to index
        %get3A_125 = arith.constant 0 : index
        %get3A_126 = tpu.vector_load %arg13[%get3A_124, %get3A_125] {strides = array<i32>} : memref<128x16xf32, #tpu.memory_space<vmem>>, vector<1x16xf32>,
        %get3A_127 = vector.shape_cast %get3A_126 : vector<1x16xf32> to vector<16xf32>
        %get3A_128 = arith.index_cast %scan3A_123 : i32 to index
        %get3A_129 = arith.constant 0 : index
        %get3A_130 = tpu.vector_load %arg14[%get3A_128, %get3A_129] {strides = array<i32>} : memref<128x16xf32, #tpu.memory_space<vmem>>, vector<1x16xf32>,
        %get3A_131 = vector.shape_cast %get3A_130 : vector<1x16xf32> to vector<16xf32>
        %add3A_132 = arith.addf %get3A_127, %get3A_131 : vector<16xf32>
        %mul3A_133 = arith.constant 2.000000e-01 : f32
        %mul3A_134 = vector.broadcast %mul3A_133 : f32 to vector<16xf32>
        %mul3A_135 = arith.mulf %mul3A_134, %add3A_132 : vector<16xf32>
        %max3A_136 = arith.maximumf %add3A_132, %mul3A_135 : vector<16xf32>
        %sub3A_137 = arith.subf %max3A_136, %get3A_69 : vector<16xf32>
        %exp3A_138 = math.exp %sub3A_137 : vector<16xf32>
        %get3A_139 = arith.index_cast %scan3A_123 : i32 to index
        %get3A_140 = arith.constant 0 : index
        %get3A_141 = tpu.vector_load %arg12[%get3A_139, %get3A_140] {strides = array<i32>} : memref<128x48xf32, #tpu.memory_space<vmem>>, vector<1x16xf32>,
        %get3A_142 = vector.shape_cast %get3A_141 : vector<1x16xf32> to vector<16xf32>
        %mul3A_143 = arith.mulf %get3A_142, %exp3A_138 : vector<16xf32>
        %swap3A_144 = arith.index_cast %scan3A_123 : i32 to index
        %swap3A_145 = arith.constant 0 : index
        %swap3A_146 = tpu.vector_load %arg12[%swap3A_144, %swap3A_145] {strides = array<i32>} : memref<128x48xf32, #tpu.memory_space<vmem>>, vector<1x16xf32>,
        %swap3A_147 = vector.shape_cast %swap3A_146 : vector<1x16xf32> to vector<16xf32>
        %swap3A_148 = vector.shape_cast %mul3A_143 : vector<16xf32> to vector<1x16xf32>
        tpu.vector_store %arg12[%swap3A_144, %swap3A_145], %swap3A_148 {strides = array<i32>} : memref<128x48xf32, #tpu.memory_space<vmem>>, vector<1x16xf32>,
        %get3A_149 = arith.index_cast %scan3A_123 : i32 to index
        %get3A_150 = arith.constant 16 : index
        %get3A_151 = tpu.vector_load %arg12[%get3A_149, %get3A_150] {strides = array<i32>} : memref<128x48xf32, #tpu.memory_space<vmem>>, vector<1x16xf32>,
        %get3A_152 = vector.shape_cast %get3A_151 : vector<1x16xf32> to vector<16xf32>
        %mul3A_153 = arith.mulf %get3A_152, %exp3A_138 : vector<16xf32>
        %swap3A_154 = arith.index_cast %scan3A_123 : i32 to index
        %swap3A_155 = arith.constant 16 : index
        %swap3A_156 = tpu.vector_load %arg12[%swap3A_154, %swap3A_155] {strides = array<i32>} : memref<128x48xf32, #tpu.memory_space<vmem>>, vector<1x16xf32>,
        %swap3A_157 = vector.shape_cast %swap3A_156 : vector<1x16xf32> to vector<16xf32>
        %swap3A_158 = vector.shape_cast %mul3A_153 : vector<16xf32> to vector<1x16xf32>
        tpu.vector_store %arg12[%swap3A_154, %swap3A_155], %swap3A_158 {strides = array<i32>} : memref<128x48xf32, #tpu.memory_space<vmem>>, vector<1x16xf32>,
        %get3A_159 = arith.index_cast %scan3A_123 : i32 to index
        %get3A_160 = arith.constant 32 : index
        %get3A_161 = tpu.vector_load %arg12[%get3A_159, %get3A_160] {strides = array<i32>} : memref<128x48xf32, #tpu.memory_space<vmem>>, vector<1x16xf32>,
        %get3A_162 = vector.shape_cast %get3A_161 : vector<1x16xf32> to vector<16xf32>
        %mul3A_163 = arith.mulf %get3A_162, %exp3A_138 : vector<16xf32>
        %swap3A_164 = arith.index_cast %scan3A_123 : i32 to index
        %swap3A_165 = arith.constant 32 : index
        %swap3A_166 = tpu.vector_load %arg12[%swap3A_164, %swap3A_165] {strides = array<i32>} : memref<128x48xf32, #tpu.memory_space<vmem>>, vector<1x16xf32>,
        %swap3A_167 = vector.shape_cast %swap3A_166 : vector<1x16xf32> to vector<16xf32>
        %swap3A_168 = vector.shape_cast %mul3A_163 : vector<16xf32> to vector<1x16xf32>
        tpu.vector_store %arg12[%swap3A_164, %swap3A_165], %swap3A_168 {strides = array<i32>} : memref<128x48xf32, #tpu.memory_space<vmem>>, vector<1x16xf32>,
        %scan3A_169 = arith.constant 0 : i32
        scf.yield %scan3A_169 : i32
      }
      %scan3A_75 = arith.constant 128 : i32
      "tpu.region"() ({
        %run_scoped3A = tpu.sem_alloc : memref<!tpu.dma_semaphore, #tpu.memory_space<semaphore_mem>>
        %dma_start3A_77 = arith.constant 0 : i32
        %dma_start3A_78 = arith.constant 0 : i32
        %dma_start3A_79 = tpu.memref_slice %arg16[%dma_start3A_77, %dma_start3A_78] : memref<10240x48xf32, #tpu.memory_space<vmem_shared>> -> memref<10240x48xf32, #tpu.memory_space<vmem_shared>>
        tpu.enqueue_indirect_dma source(%arg12 : memref<128x48xf32, #tpu.memory_space<vmem>>) target(%dma_start3A_79 : memref<10240x48xf32, #tpu.memory_space<vmem_shared>>) offsets(%arg11 : memref<128xi32, #tpu.memory_space<vmem>>) semaphore(%run_scoped3A : memref<!tpu.dma_semaphore, #tpu.memory_space<semaphore_mem>>) {add = true}
        %dma_wait3A_80 = arith.constant 0 : i32
        %dma_wait3A_81 = arith.constant 0 : i32
        %dma_wait3A_82 = tpu.memref_slice %arg16[%dma_wait3A_80, %dma_wait3A_81] : memref<10240x48xf32, #tpu.memory_space<vmem_shared>> -> memref<10240x48xf32, #tpu.memory_space<vmem_shared>>
        tpu.wait_indirect_dma semaphore(%run_scoped3A : memref<!tpu.dma_semaphore, #tpu.memory_space<semaphore_mem>>) src(%arg12 : memref<128x48xf32, #tpu.memory_space<vmem>>) dst(%dma_wait3A_82 : memref<10240x48xf32, #tpu.memory_space<vmem_shared>>)
        tpu.yield
      }) : () -> ()
      %while3A_76 = arith.constant 0 : i32
      scf.yield %while3A_76 : i32
    }
    %barrier3A_38 = arith.constant 0 : index
    tpu.barrier barrier_id(%barrier3A_38)
    %mul3A_39 = arith.constant 640 : i32
    %mul3A_40 = arith.muli %arg1, %mul3A_39 : i32
    %mul3A_41 = arith.constant 640 : i32
    %mul3A_42 = arith.muli %arg1, %mul3A_41 : i32
    "tpu.region"() ({
      %run_scoped3A = tpu.sem_alloc : memref<!tpu.dma_semaphore, #tpu.memory_space<semaphore_mem>>
      %dma_start3A = arith.constant 0 : i32
      %dma_start3A_43 = tpu.memref_slice %arg9[%arg0, %mul3A_42, %dma_start3A] : memref<2x10240x48xf32, #tpu.memory_space<hbm>> -> memref<1x640x48xf32, #tpu.memory_space<hbm>>
      %dma_start3A_44 = tpu.memref_squeeze %dma_start3A_43 : memref<1x640x48xf32, #tpu.memory_space<hbm>> -> memref<640x48xf32, #tpu.memory_space<hbm>>
      %dma_start3A_45 = arith.constant 0 : i32
      %dma_start3A_46 = tpu.memref_slice %arg16[%mul3A_40, %dma_start3A_45] : memref<10240x48xf32, #tpu.memory_space<vmem_shared>> -> memref<640x48xf32, #tpu.memory_space<vmem_shared>>
      tpu.enqueue_dma source(%dma_start3A_46 : memref<640x48xf32, #tpu.memory_space<vmem_shared>>) target(%dma_start3A_44 : memref<640x48xf32, #tpu.memory_space<hbm>>) target_semaphore(%run_scoped3A : memref<!tpu.dma_semaphore, #tpu.memory_space<semaphore_mem>>)
      %dma_wait3A = arith.constant 0 : i32
      %dma_wait3A_47 = tpu.memref_slice %arg9[%arg0, %mul3A_42, %dma_wait3A] : memref<2x10240x48xf32, #tpu.memory_space<hbm>> -> memref<1x640x48xf32, #tpu.memory_space<hbm>>
      %dma_wait3A_48 = tpu.memref_squeeze %dma_wait3A_47 : memref<1x640x48xf32, #tpu.memory_space<hbm>> -> memref<640x48xf32, #tpu.memory_space<hbm>>
      %dma_wait3A_49 = arith.constant 0 : i32
      %dma_wait3A_50 = tpu.memref_slice %arg16[%mul3A_40, %dma_wait3A_49] : memref<10240x48xf32, #tpu.memory_space<vmem_shared>> -> memref<640x48xf32, #tpu.memory_space<vmem_shared>>
      tpu.wait_dma2 semaphore(%run_scoped3A : memref<!tpu.dma_semaphore, #tpu.memory_space<semaphore_mem>>) src(%dma_wait3A_50 : memref<640x48xf32, #tpu.memory_space<vmem_shared>>) dst(%dma_wait3A_48 : memref<640x48xf32, #tpu.memory_space<hbm>>)
      tpu.yield
    }) : () -> ()
    return
  }
}

module attributes {stable_mosaic.version = 14 : i64} {
  func.func @_tc1_body(%arg0: i32, %arg1: memref<1000x128xf32, #tpu.memory_space<vmem>>, %arg2: memref<128x128xf32, #tpu.memory_space<vmem>>, %arg3: memref<128x8xf32, #tpu.memory_space<vmem>>, %arg4: memref<128x8xf32, #tpu.memory_space<vmem>>, %arg5: memref<1000x144xf32, #tpu.memory_space<vmem>>, %arg6: memref<1000x16xf32, #tpu.memory_space<vmem>>, %arg7: memref<1x16xf32, #tpu.memory_space<vmem>>, %arg8: memref<1x16xf32, #tpu.memory_space<vmem>>) attributes {dimension_semantics = [#tpu.dimension_semantics<arbitrary>], iteration_bounds = array<i64: 10>, scalar_prefetch = 0 : i64, scratch_operands = 0 : i64, tpu.core_type = #tpu.core_type<tc>, window_params = [{transform_indices = @transform_0, window_bounds = array<i64: 1000, 128>}, {pipeline_mode = #tpu.pipeline_mode<synchronous>, transform_indices = @transform_1, window_bounds = array<i64: 128, 128>}, {pipeline_mode = #tpu.pipeline_mode<synchronous>, transform_indices = @transform_2, window_bounds = array<i64: 128, 8>}, {pipeline_mode = #tpu.pipeline_mode<synchronous>, transform_indices = @transform_3, window_bounds = array<i64: 128, 8>}, {transform_indices = @transform_4, window_bounds = array<i64: 1000, 144>}, {transform_indices = @transform_5, window_bounds = array<i64: 1000, 16>}, {pipeline_mode = #tpu.pipeline_mode<synchronous>, transform_indices = @transform_6, window_bounds = array<i64: 1, 16>}, {pipeline_mode = #tpu.pipeline_mode<synchronous>, transform_indices = @transform_7, window_bounds = array<i64: 1, 16>}]} {
    %get3A = arith.constant 0 : index
    %get3A_0 = arith.constant 0 : index
    %get3A_1 = vector.load %arg1[%get3A, %get3A_0] : memref<1000x128xf32, #tpu.memory_space<vmem>>, vector<1000x128xf32>
    %get3A_2 = arith.constant 0 : index
    %get3A_3 = arith.constant 0 : index
    %get3A_4 = vector.load %arg2[%get3A_2, %get3A_3] : memref<128x128xf32, #tpu.memory_space<vmem>>, vector<128x128xf32>
    %dot_general3A = arith.constant dense<0.000000e+00> : vector<1000x128xf32>
    %dot_general3A_5 = tpu.matmul %get3A_1, %get3A_4, %dot_general3A {dimension_numbers = #tpu.dot_dimension_numbers<[1], [0], [0], [1], [0, 0, 1, 1], [], []>, transpose_lhs_hint = false} : vector<1000x128xf32>, vector<128x128xf32>, vector<1000x128xf32> -> vector<1000x128xf32>
    %get3A_6 = arith.constant 0 : index
    %get3A_7 = arith.constant 0 : index
    %get3A_8 = vector.load %arg3[%get3A_6, %get3A_7] : memref<128x8xf32, #tpu.memory_space<vmem>>, vector<128x8xf32>
    %dot_general3A_9 = arith.constant dense<0.000000e+00> : vector<1000x8xf32>
    %dot_general3A_10 = tpu.matmul %dot_general3A_5, %get3A_8, %dot_general3A_9 {dimension_numbers = #tpu.dot_dimension_numbers<[1], [0], [0], [1], [0, 0, 1, 1], [], []>, transpose_lhs_hint = false} : vector<1000x128xf32>, vector<128x8xf32>, vector<1000x8xf32> -> vector<1000x8xf32>
    %get3A_11 = arith.constant 0 : index
    %get3A_12 = arith.constant 0 : index
    %get3A_13 = vector.load %arg4[%get3A_11, %get3A_12] : memref<128x8xf32, #tpu.memory_space<vmem>>, vector<128x8xf32>
    %dot_general3A_14 = arith.constant dense<0.000000e+00> : vector<1000x8xf32>
    %dot_general3A_15 = tpu.matmul %dot_general3A_5, %get3A_13, %dot_general3A_14 {dimension_numbers = #tpu.dot_dimension_numbers<[1], [0], [0], [1], [0, 0, 1, 1], [], []>, transpose_lhs_hint = false} : vector<1000x128xf32>, vector<128x8xf32>, vector<1000x8xf32> -> vector<1000x8xf32>
    %concatenate3A = tpu.concatenate %dot_general3A_5, %dot_general3A_10, %dot_general3A_10 in 1 : vector<1000x128xf32>, vector<1000x8xf32>, vector<1000x8xf32> -> vector<1000x144xf32>
    %swap3A = arith.constant 0 : index
    %swap3A_16 = arith.constant 0 : index
    %swap3A_17 = vector.load %arg5[%swap3A, %swap3A_16] : memref<1000x144xf32, #tpu.memory_space<vmem>>, vector<1000x144xf32>
    tpu.vector_store %arg5[%swap3A, %swap3A_16], %concatenate3A {strides = array<i32>} : memref<1000x144xf32, #tpu.memory_space<vmem>>, vector<1000x144xf32>,
    %concatenate3A_18 = tpu.concatenate %dot_general3A_15, %dot_general3A_15 in 1 : vector<1000x8xf32>, vector<1000x8xf32> -> vector<1000x16xf32>
    %swap3A_19 = arith.constant 0 : index
    %swap3A_20 = arith.constant 0 : index
    %swap3A_21 = vector.load %arg6[%swap3A_19, %swap3A_20] : memref<1000x16xf32, #tpu.memory_space<vmem>>, vector<1000x16xf32>
    tpu.vector_store %arg6[%swap3A_19, %swap3A_20], %concatenate3A_18 {strides = array<i32>} : memref<1000x16xf32, #tpu.memory_space<vmem>>, vector<1000x16xf32>,
    %reduce_max3A = arith.constant dense<0xFF800000> : vector<8xf32>
    %reduce_max3A_22 = vector.multi_reduction <maximumf>, %dot_general3A_10, %reduce_max3A [0] : vector<1000x8xf32> to vector<8xf32>
    %reduce_max3A_23 = arith.constant dense<0xFF800000> : vector<8xf32>
    %reduce_max3A_24 = vector.multi_reduction <maximumf>, %dot_general3A_15, %reduce_max3A_23 [0] : vector<1000x8xf32> to vector<8xf32>
    %concatenate3A_25 = tpu.concatenate %reduce_max3A_22, %reduce_max3A_24 in 0 : vector<8xf32>, vector<8xf32> -> vector<16xf32>
    %reshape3A = vector.shape_cast %concatenate3A_25 : vector<16xf32> to vector<1x16xf32>
    %eq3A = arith.constant 0 : i32
    %eq3A_26 = arith.cmpi eq, %arg0, %eq3A : i32
    %convert_element_type3A = arith.extui %eq3A_26 : i1 to i32
    %cond3A = arith.constant 0 : i32
    %cond3A_27 = arith.cmpi ne, %convert_element_type3A, %cond3A : i32
    scf.if %cond3A_27 {
      %swap3A_37 = arith.constant 0 : index
      %swap3A_38 = arith.constant 0 : index
      %swap3A_39 = vector.load %arg8[%swap3A_37, %swap3A_38] : memref<1x16xf32, #tpu.memory_space<vmem>>, vector<1x16xf32>
      tpu.vector_store %arg8[%swap3A_37, %swap3A_38], %reshape3A {strides = array<i32>} : memref<1x16xf32, #tpu.memory_space<vmem>>, vector<1x16xf32>,
    } else {
    }
    %gt3A = arith.constant 0 : i32
    %gt3A_28 = arith.cmpi sgt, %arg0, %gt3A : i32
    %convert_element_type3A_29 = arith.extui %gt3A_28 : i1 to i32
    %cond3A_30 = arith.constant 0 : i32
    %cond3A_31 = arith.cmpi ne, %convert_element_type3A_29, %cond3A_30 : i32
    scf.if %cond3A_31 {
      %get3A_37 = arith.constant 0 : index
      %get3A_38 = arith.constant 0 : index
      %get3A_39 = vector.load %arg8[%get3A_37, %get3A_38] : memref<1x16xf32, #tpu.memory_space<vmem>>, vector<1x16xf32>
      %max3A = arith.maximumf %get3A_39, %reshape3A : vector<1x16xf32>
      %swap3A_40 = arith.constant 0 : index
      %swap3A_41 = arith.constant 0 : index
      %swap3A_42 = vector.load %arg8[%swap3A_40, %swap3A_41] : memref<1x16xf32, #tpu.memory_space<vmem>>, vector<1x16xf32>
      tpu.vector_store %arg8[%swap3A_40, %swap3A_41], %max3A {strides = array<i32>} : memref<1x16xf32, #tpu.memory_space<vmem>>, vector<1x16xf32>,
    } else {
    }
    %eq3A_32 = arith.constant 9 : i32
    %eq3A_33 = arith.cmpi eq, %arg0, %eq3A_32 : i32
    %convert_element_type3A_34 = arith.extui %eq3A_33 : i1 to i32
    %cond3A_35 = arith.constant 0 : i32
    %cond3A_36 = arith.cmpi ne, %convert_element_type3A_34, %cond3A_35 : i32
    scf.if %cond3A_36 {
      %get3A_37 = arith.constant 0 : index
      %get3A_38 = arith.constant 0 : index
      %get3A_39 = vector.load %arg8[%get3A_37, %get3A_38] : memref<1x16xf32, #tpu.memory_space<vmem>>, vector<1x8xf32>
      %get3A_40 = vector.shape_cast %get3A_39 : vector<1x8xf32> to vector<8xf32>
      %get3A_41 = arith.constant 0 : index
      %get3A_42 = arith.constant 8 : index
      %get3A_43 = vector.load %arg8[%get3A_41, %get3A_42] : memref<1x16xf32, #tpu.memory_space<vmem>>, vector<1x8xf32>
      %get3A_44 = vector.shape_cast %get3A_43 : vector<1x8xf32> to vector<8xf32>
      %add3A = arith.addf %get3A_40, %get3A_44 : vector<8xf32>
      %mul3A = arith.constant 2.000000e-01 : f32
      %mul3A_45 = vector.broadcast %mul3A : f32 to vector<8xf32>
      %mul3A_46 = arith.mulf %mul3A_45, %add3A : vector<8xf32>
      %max3A = arith.maximumf %add3A, %mul3A_46 : vector<8xf32>
      %concatenate3A_47 = tpu.concatenate %max3A, %max3A in 0 : vector<8xf32>, vector<8xf32> -> vector<16xf32>
      %reshape3A_48 = vector.shape_cast %concatenate3A_47 : vector<16xf32> to vector<1x16xf32>
      %swap3A_49 = arith.constant 0 : index
      %swap3A_50 = arith.constant 0 : index
      %swap3A_51 = vector.load %arg7[%swap3A_49, %swap3A_50] : memref<1x16xf32, #tpu.memory_space<vmem>>, vector<1x16xf32>
      tpu.vector_store %arg7[%swap3A_49, %swap3A_50], %reshape3A_48 {strides = array<i32>} : memref<1x16xf32, #tpu.memory_space<vmem>>, vector<1x16xf32>,
    } else {
    }
    return
  }
  func.func @transform_0(%arg0: i32) -> (i32, i32) {
    %c0_i32 = arith.constant 0 : i32
    %c0_i32_0 = arith.constant 0 : i32
    return %arg0, %c0_i32 : i32, i32
  }
  func.func @transform_1(%arg0: i32) -> (i32, i32) {
    %c0_i32 = arith.constant 0 : i32
    %c0_i32_0 = arith.constant 0 : i32
    %c0_i32_1 = arith.constant 0 : i32
    return %c0_i32, %c0_i32_0 : i32, i32
  }
  func.func @transform_2(%arg0: i32) -> (i32, i32) {
    %c0_i32 = arith.constant 0 : i32
    %c0_i32_0 = arith.constant 0 : i32
    %c0_i32_1 = arith.constant 0 : i32
    return %c0_i32, %c0_i32_0 : i32, i32
  }
  func.func @transform_3(%arg0: i32) -> (i32, i32) {
    %c0_i32 = arith.constant 0 : i32
    %c0_i32_0 = arith.constant 0 : i32
    %c0_i32_1 = arith.constant 0 : i32
    return %c0_i32, %c0_i32_0 : i32, i32
  }
  func.func @transform_4(%arg0: i32) -> (i32, i32) {
    %c0_i32 = arith.constant 0 : i32
    %c0_i32_0 = arith.constant 0 : i32
    return %arg0, %c0_i32 : i32, i32
  }
  func.func @transform_5(%arg0: i32) -> (i32, i32) {
    %c0_i32 = arith.constant 0 : i32
    %c0_i32_0 = arith.constant 0 : i32
    return %arg0, %c0_i32 : i32, i32
  }
  func.func @transform_6(%arg0: i32) -> (i32, i32) {
    %c0_i32 = arith.constant 0 : i32
    %c0_i32_0 = arith.constant 0 : i32
    %c0_i32_1 = arith.constant 0 : i32
    return %c0_i32, %c0_i32_0 : i32, i32
  }
  func.func @transform_7(%arg0: i32) -> (i32, i32) {
    %c0_i32 = arith.constant 0 : i32
    %c0_i32_0 = arith.constant 0 : i32
    %c0_i32_1 = arith.constant 0 : i32
    return %c0_i32, %c0_i32_0 : i32, i32
  }
}

module attributes {stable_mosaic.version = 14 : i64} {
  func.func @_tc2_body(%arg0: i32, %arg1: memref<2x1000x144xf32, #tpu.memory_space<vmem>>, %arg2: memref<1000x144xf32, #tpu.memory_space<vmem>>, %arg3: memref<1000x16xf32, #tpu.memory_space<vmem>>, %arg4: memref<1x16xf32, #tpu.memory_space<vmem>>, %arg5: memref<1x128xf32, #tpu.memory_space<vmem>>, %arg6: memref<128x40xf32, #tpu.memory_space<vmem>>, %arg7: memref<40x1xf32, #tpu.memory_space<vmem>>, %arg8: memref<40x1xf32, #tpu.memory_space<vmem>>, %arg9: memref<1000x48xf32, #tpu.memory_space<vmem>>, %arg10: memref<1000x16xf32, #tpu.memory_space<vmem>>, %arg11: memref<1000x16xf32, #tpu.memory_space<vmem>>, %arg12: memref<1x16xf32, #tpu.memory_space<vmem>>, %arg13: memref<1x2xf32, #tpu.memory_space<vmem>>) attributes {dimension_semantics = [#tpu.dimension_semantics<arbitrary>], iteration_bounds = array<i64: 10>, scalar_prefetch = 0 : i64, scratch_operands = 0 : i64, tpu.core_type = #tpu.core_type<tc>, window_params = [{transform_indices = @transform_0, window_bounds = array<i64: 2, 1000, 144>}, {transform_indices = @transform_1, window_bounds = array<i64: 1000, 144>}, {transform_indices = @transform_2, window_bounds = array<i64: 1000, 16>}, {pipeline_mode = #tpu.pipeline_mode<synchronous>, transform_indices = @transform_3, window_bounds = array<i64: 1, 16>}, {pipeline_mode = #tpu.pipeline_mode<synchronous>, transform_indices = @transform_4, window_bounds = array<i64: 1, 128>}, {pipeline_mode = #tpu.pipeline_mode<synchronous>, transform_indices = @transform_5, window_bounds = array<i64: 128, 40>}, {pipeline_mode = #tpu.pipeline_mode<synchronous>, transform_indices = @transform_6, window_bounds = array<i64: 40, 1>}, {pipeline_mode = #tpu.pipeline_mode<synchronous>, transform_indices = @transform_7, window_bounds = array<i64: 40, 1>}, {transform_indices = @transform_8, window_bounds = array<i64: 1000, 48>}, {transform_indices = @transform_9, window_bounds = array<i64: 1000, 16>}, {transform_indices = @transform_10, window_bounds = array<i64: 1000, 16>}, {pipeline_mode = #tpu.pipeline_mode<synchronous>, transform_indices = @transform_11, window_bounds = array<i64: 1, 16>}, {pipeline_mode = #tpu.pipeline_mode<synchronous>, transform_indices = @transform_12, window_bounds = array<i64: 1, 2>}]} {
    %get3A = arith.constant 0 : index
    %get3A_0 = arith.constant 0 : index
    %get3A_1 = arith.constant 0 : index
    %get3A_2 = vector.load %arg1[%get3A, %get3A_0, %get3A_1] : memref<2x1000x144xf32, #tpu.memory_space<vmem>>, vector<1x1000x144xf32>
    %get3A_3 = vector.shape_cast %get3A_2 : vector<1x1000x144xf32> to vector<1000x144xf32>
    %get3A_4 = arith.constant 1 : index
    %get3A_5 = arith.constant 0 : index
    %get3A_6 = arith.constant 0 : index
    %get3A_7 = vector.load %arg1[%get3A_4, %get3A_5, %get3A_6] : memref<2x1000x144xf32, #tpu.memory_space<vmem>>, vector<1x1000x144xf32>
    %get3A_8 = vector.shape_cast %get3A_7 : vector<1x1000x144xf32> to vector<1000x144xf32>
    %add3A = arith.addf %get3A_3, %get3A_8 : vector<1000x144xf32>
    %slice3A = vector.extract_strided_slice %add3A {offsets = [0, 0], sizes = [1000, 128], strides = [1, 1]} : vector<1000x144xf32> to vector<1000x128xf32>
    %slice3A_9 = vector.extract_strided_slice %add3A {offsets = [0, 128], sizes = [1000, 8], strides = [1, 1]} : vector<1000x144xf32> to vector<1000x8xf32>
    %get3A_10 = arith.constant 0 : index
    %get3A_11 = arith.constant 128 : index
    %get3A_12 = vector.load %arg2[%get3A_10, %get3A_11] : memref<1000x144xf32, #tpu.memory_space<vmem>>, vector<1000x8xf32>
    %get3A_13 = arith.constant 0 : index
    %get3A_14 = arith.constant 0 : index
    %get3A_15 = vector.load %arg3[%get3A_13, %get3A_14] : memref<1000x16xf32, #tpu.memory_space<vmem>>, vector<1000x8xf32>
    %add3A_16 = arith.addf %get3A_12, %get3A_15 : vector<1000x8xf32>
    %mul3A = arith.constant 2.000000e-01 : f32
    %mul3A_17 = vector.broadcast %mul3A : f32 to vector<1000x8xf32>
    %mul3A_18 = arith.mulf %mul3A_17, %add3A_16 : vector<1000x8xf32>
    %max3A = arith.maximumf %add3A_16, %mul3A_18 : vector<1000x8xf32>
    %get3A_19 = arith.constant 0 : index
    %get3A_20 = arith.constant 0 : index
    %get3A_21 = vector.load %arg4[%get3A_19, %get3A_20] : memref<1x16xf32, #tpu.memory_space<vmem>>, vector<1x8xf32>
    %sub3A = vector.broadcast %get3A_21 : vector<1x8xf32> to vector<1000x8xf32>
    %sub3A_22 = arith.subf %max3A, %sub3A : vector<1000x8xf32>
    %exp3A = math.exp %sub3A_22 : vector<1000x8xf32>
    %get3A_23 = arith.constant 0 : index
    %get3A_24 = arith.constant 0 : index
    %get3A_25 = vector.load %arg2[%get3A_23, %get3A_24] : memref<1000x144xf32, #tpu.memory_space<vmem>>, vector<1000x128xf32>
    %concatenate3A = tpu.concatenate %exp3A, %exp3A, %exp3A, %exp3A, %exp3A, %exp3A, %exp3A, %exp3A, %exp3A, %exp3A, %exp3A, %exp3A, %exp3A, %exp3A, %exp3A, %exp3A in 1 : vector<1000x8xf32>, vector<1000x8xf32>, vector<1000x8xf32>, vector<1000x8xf32>, vector<1000x8xf32>, vector<1000x8xf32>, vector<1000x8xf32>, vector<1000x8xf32>, vector<1000x8xf32>, vector<1000x8xf32>, vector<1000x8xf32>, vector<1000x8xf32>, vector<1000x8xf32>, vector<1000x8xf32>, vector<1000x8xf32>, vector<1000x8xf32> -> vector<1000x128xf32>
    %add3A_26 = arith.addf %slice3A_9, %exp3A : vector<1000x8xf32>
    %concatenate3A_27 = tpu.concatenate %add3A_26, %add3A_26, %add3A_26, %add3A_26, %add3A_26, %add3A_26, %add3A_26, %add3A_26, %add3A_26, %add3A_26, %add3A_26, %add3A_26, %add3A_26, %add3A_26, %add3A_26, %add3A_26 in 1 : vector<1000x8xf32>, vector<1000x8xf32>, vector<1000x8xf32>, vector<1000x8xf32>, vector<1000x8xf32>, vector<1000x8xf32>, vector<1000x8xf32>, vector<1000x8xf32>, vector<1000x8xf32>, vector<1000x8xf32>, vector<1000x8xf32>, vector<1000x8xf32>, vector<1000x8xf32>, vector<1000x8xf32>, vector<1000x8xf32>, vector<1000x8xf32> -> vector<1000x128xf32>
    %mul3A_28 = arith.mulf %concatenate3A, %get3A_25 : vector<1000x128xf32>
    %add3A_29 = arith.addf %slice3A, %mul3A_28 : vector<1000x128xf32>
    %div3A = arith.divf %add3A_29, %concatenate3A_27 : vector<1000x128xf32>
    %get3A_30 = arith.constant 0 : index
    %get3A_31 = arith.constant 0 : index
    %get3A_32 = vector.load %arg5[%get3A_30, %get3A_31] : memref<1x128xf32, #tpu.memory_space<vmem>>, vector<1x128xf32>
    %add3A_33 = vector.broadcast %get3A_32 : vector<1x128xf32> to vector<1000x128xf32>
    %add3A_34 = arith.addf %div3A, %add3A_33 : vector<1000x128xf32>
    %gt3A = arith.constant 0.000000e+00 : f32
    %gt3A_35 = vector.broadcast %gt3A : f32 to vector<1000x128xf32>
    %gt3A_36 = arith.cmpf ogt, %add3A_34, %gt3A_35 : vector<1000x128xf32>
    %exp3A_37 = math.exp %add3A_34 : vector<1000x128xf32>
    %sub3A_38 = arith.constant 1.000000e+00 : f32
    %sub3A_39 = vector.broadcast %sub3A_38 : f32 to vector<1000x128xf32>
    %sub3A_40 = arith.subf %exp3A_37, %sub3A_39 : vector<1000x128xf32>
    %select_n3A = arith.select %gt3A_36, %add3A_34, %sub3A_40 : vector<1000x128xi1>, vector<1000x128xf32>
    %get3A_41 = arith.constant 0 : index
    %get3A_42 = arith.constant 0 : index
    %get3A_43 = vector.load %arg6[%get3A_41, %get3A_42] : memref<128x40xf32, #tpu.memory_space<vmem>>, vector<128x40xf32>
    %dot_general3A = arith.constant dense<0.000000e+00> : vector<1000x40xf32>
    %dot_general3A_44 = tpu.matmul %select_n3A, %get3A_43, %dot_general3A {dimension_numbers = #tpu.dot_dimension_numbers<[1], [0], [0], [1], [0, 0, 1, 1], [], []>, transpose_lhs_hint = false} : vector<1000x128xf32>, vector<128x40xf32>, vector<1000x40xf32> -> vector<1000x40xf32>
    %get3A_45 = arith.constant 0 : index
    %get3A_46 = arith.constant 0 : index
    %get3A_47 = vector.load %arg7[%get3A_45, %get3A_46] : memref<40x1xf32, #tpu.memory_space<vmem>>, vector<40x1xf32>
    %dot_general3A_48 = arith.constant dense<0.000000e+00> : vector<1000x1xf32>
    %dot_general3A_49 = tpu.matmul %dot_general3A_44, %get3A_47, %dot_general3A_48 {dimension_numbers = #tpu.dot_dimension_numbers<[1], [0], [0], [1], [0, 0, 1, 1], [], []>, transpose_lhs_hint = false} : vector<1000x40xf32>, vector<40x1xf32>, vector<1000x1xf32> -> vector<1000x1xf32>
    %get3A_50 = arith.constant 0 : index
    %get3A_51 = arith.constant 0 : index
    %get3A_52 = vector.load %arg8[%get3A_50, %get3A_51] : memref<40x1xf32, #tpu.memory_space<vmem>>, vector<40x1xf32>
    %dot_general3A_53 = arith.constant dense<0.000000e+00> : vector<1000x1xf32>
    %dot_general3A_54 = tpu.matmul %dot_general3A_44, %get3A_52, %dot_general3A_53 {dimension_numbers = #tpu.dot_dimension_numbers<[1], [0], [0], [1], [0, 0, 1, 1], [], []>, transpose_lhs_hint = false} : vector<1000x40xf32>, vector<40x1xf32>, vector<1000x1xf32> -> vector<1000x1xf32>
    %broadcast_in_dim3A = arith.constant 1.000000e+00 : f32
    %broadcast_in_dim3A_55 = vector.broadcast %broadcast_in_dim3A : f32 to vector<1000x1xf32>
    %broadcast_in_dim3A_56 = arith.constant 0.000000e+00 : f32
    %broadcast_in_dim3A_57 = vector.broadcast %broadcast_in_dim3A_56 : f32 to vector<1000x7xf32>
    %concatenate3A_58 = tpu.concatenate %dot_general3A_44, %broadcast_in_dim3A_55, %broadcast_in_dim3A_57 in 1 : vector<1000x40xf32>, vector<1000x1xf32>, vector<1000x7xf32> -> vector<1000x48xf32>
    %swap3A = arith.constant 0 : index
    %swap3A_59 = arith.constant 0 : index
    %swap3A_60 = vector.load %arg9[%swap3A, %swap3A_59] : memref<1000x48xf32, #tpu.memory_space<vmem>>, vector<1000x48xf32>
    tpu.vector_store %arg9[%swap3A, %swap3A_59], %concatenate3A_58 {strides = array<i32>} : memref<1000x48xf32, #tpu.memory_space<vmem>>, vector<1000x48xf32>,
    %concatenate3A_61 = tpu.concatenate %dot_general3A_49, %dot_general3A_49, %dot_general3A_49, %dot_general3A_49, %dot_general3A_49, %dot_general3A_49, %dot_general3A_49, %dot_general3A_49, %dot_general3A_49, %dot_general3A_49, %dot_general3A_49, %dot_general3A_49, %dot_general3A_49, %dot_general3A_49, %dot_general3A_49, %dot_general3A_49 in 1 : vector<1000x1xf32>, vector<1000x1xf32>, vector<1000x1xf32>, vector<1000x1xf32>, vector<1000x1xf32>, vector<1000x1xf32>, vector<1000x1xf32>, vector<1000x1xf32>, vector<1000x1xf32>, vector<1000x1xf32>, vector<1000x1xf32>, vector<1000x1xf32>, vector<1000x1xf32>, vector<1000x1xf32>, vector<1000x1xf32>, vector<1000x1xf32> -> vector<1000x16xf32>
    %swap3A_62 = arith.constant 0 : index
    %swap3A_63 = arith.constant 0 : index
    %swap3A_64 = vector.load %arg10[%swap3A_62, %swap3A_63] : memref<1000x16xf32, #tpu.memory_space<vmem>>, vector<1000x16xf32>
    tpu.vector_store %arg10[%swap3A_62, %swap3A_63], %concatenate3A_61 {strides = array<i32>} : memref<1000x16xf32, #tpu.memory_space<vmem>>, vector<1000x16xf32>,
    %concatenate3A_65 = tpu.concatenate %dot_general3A_54, %dot_general3A_54, %dot_general3A_54, %dot_general3A_54, %dot_general3A_54, %dot_general3A_54, %dot_general3A_54, %dot_general3A_54, %dot_general3A_54, %dot_general3A_54, %dot_general3A_54, %dot_general3A_54, %dot_general3A_54, %dot_general3A_54, %dot_general3A_54, %dot_general3A_54 in 1 : vector<1000x1xf32>, vector<1000x1xf32>, vector<1000x1xf32>, vector<1000x1xf32>, vector<1000x1xf32>, vector<1000x1xf32>, vector<1000x1xf32>, vector<1000x1xf32>, vector<1000x1xf32>, vector<1000x1xf32>, vector<1000x1xf32>, vector<1000x1xf32>, vector<1000x1xf32>, vector<1000x1xf32>, vector<1000x1xf32>, vector<1000x1xf32> -> vector<1000x16xf32>
    %swap3A_66 = arith.constant 0 : index
    %swap3A_67 = arith.constant 0 : index
    %swap3A_68 = vector.load %arg11[%swap3A_66, %swap3A_67] : memref<1000x16xf32, #tpu.memory_space<vmem>>, vector<1000x16xf32>
    tpu.vector_store %arg11[%swap3A_66, %swap3A_67], %concatenate3A_65 {strides = array<i32>} : memref<1000x16xf32, #tpu.memory_space<vmem>>, vector<1000x16xf32>,
    %reduce_max3A = arith.constant dense<0xFF800000> : vector<1xf32>
    %reduce_max3A_69 = vector.multi_reduction <maximumf>, %dot_general3A_49, %reduce_max3A [0] : vector<1000x1xf32> to vector<1xf32>
    %reduce_max3A_70 = arith.constant dense<0xFF800000> : vector<1xf32>
    %reduce_max3A_71 = vector.multi_reduction <maximumf>, %dot_general3A_54, %reduce_max3A_70 [0] : vector<1000x1xf32> to vector<1xf32>
    %concatenate3A_72 = tpu.concatenate %reduce_max3A_69, %reduce_max3A_71 in 0 : vector<1xf32>, vector<1xf32> -> vector<2xf32>
    %reshape3A = vector.shape_cast %concatenate3A_72 : vector<2xf32> to vector<1x2xf32>
    %eq3A = arith.constant 0 : i32
    %eq3A_73 = arith.cmpi eq, %arg0, %eq3A : i32
    %convert_element_type3A = arith.extui %eq3A_73 : i1 to i32
    %cond3A = arith.constant 0 : i32
    %cond3A_74 = arith.cmpi ne, %convert_element_type3A, %cond3A : i32
    scf.if %cond3A_74 {
      %swap3A_85 = arith.constant 0 : index
      %swap3A_86 = arith.constant 0 : index
      %swap3A_87 = vector.load %arg13[%swap3A_85, %swap3A_86] : memref<1x2xf32, #tpu.memory_space<vmem>>, vector<1x2xf32>
      tpu.vector_store %arg13[%swap3A_85, %swap3A_86], %reshape3A {strides = array<i32>} : memref<1x2xf32, #tpu.memory_space<vmem>>, vector<1x2xf32>,
    } else {
    }
    %gt3A_75 = arith.constant 0 : i32
    %gt3A_76 = arith.cmpi sgt, %arg0, %gt3A_75 : i32
    %convert_element_type3A_77 = arith.extui %gt3A_76 : i1 to i32
    %cond3A_78 = arith.constant 0 : i32
    %cond3A_79 = arith.cmpi ne, %convert_element_type3A_77, %cond3A_78 : i32
    scf.if %cond3A_79 {
      %get3A_85 = arith.constant 0 : index
      %get3A_86 = arith.constant 0 : index
      %get3A_87 = vector.load %arg13[%get3A_85, %get3A_86] : memref<1x2xf32, #tpu.memory_space<vmem>>, vector<1x2xf32>
      %max3A_88 = arith.maximumf %get3A_87, %reshape3A : vector<1x2xf32>
      %swap3A_89 = arith.constant 0 : index
      %swap3A_90 = arith.constant 0 : index
      %swap3A_91 = vector.load %arg13[%swap3A_89, %swap3A_90] : memref<1x2xf32, #tpu.memory_space<vmem>>, vector<1x2xf32>
      tpu.vector_store %arg13[%swap3A_89, %swap3A_90], %max3A_88 {strides = array<i32>} : memref<1x2xf32, #tpu.memory_space<vmem>>, vector<1x2xf32>,
    } else {
    }
    %eq3A_80 = arith.constant 9 : i32
    %eq3A_81 = arith.cmpi eq, %arg0, %eq3A_80 : i32
    %convert_element_type3A_82 = arith.extui %eq3A_81 : i1 to i32
    %cond3A_83 = arith.constant 0 : i32
    %cond3A_84 = arith.cmpi ne, %convert_element_type3A_82, %cond3A_83 : i32
    scf.if %cond3A_84 {
      %get3A_85 = arith.constant 0 : index
      %get3A_86 = arith.constant 0 : index
      %get3A_87 = vector.load %arg13[%get3A_85, %get3A_86] : memref<1x2xf32, #tpu.memory_space<vmem>>, vector<1x1xf32>
      %get3A_88 = vector.shape_cast %get3A_87 : vector<1x1xf32> to vector<1xf32>
      %get3A_89 = arith.constant 0 : index
      %get3A_90 = arith.constant 1 : index
      %get3A_91 = vector.load %arg13[%get3A_89, %get3A_90] : memref<1x2xf32, #tpu.memory_space<vmem>>, vector<1x1xf32>
      %get3A_92 = vector.shape_cast %get3A_91 : vector<1x1xf32> to vector<1xf32>
      %add3A_93 = arith.addf %get3A_88, %get3A_92 : vector<1xf32>
      %mul3A_94 = arith.constant 2.000000e-01 : f32
      %mul3A_95 = vector.broadcast %mul3A_94 : f32 to vector<1xf32>
      %mul3A_96 = arith.mulf %mul3A_95, %add3A_93 : vector<1xf32>
      %max3A_97 = arith.maximumf %add3A_93, %mul3A_96 : vector<1xf32>
      %reshape3A_98 = vector.shape_cast %max3A_97 : vector<1xf32> to vector<1x1xf32>
      %broadcast_in_dim3A_99 = vector.shape_cast %reshape3A_98 : vector<1x1xf32> to vector<1x1xf32>
      %broadcast_in_dim3A_100 = vector.broadcast %broadcast_in_dim3A_99 : vector<1x1xf32> to vector<1x16xf32>
      %swap3A_101 = arith.constant 0 : index
      %swap3A_102 = arith.constant 0 : index
      %swap3A_103 = vector.load %arg12[%swap3A_101, %swap3A_102] : memref<1x16xf32, #tpu.memory_space<vmem>>, vector<1x16xf32>
      tpu.vector_store %arg12[%swap3A_101, %swap3A_102], %broadcast_in_dim3A_100 {strides = array<i32>} : memref<1x16xf32, #tpu.memory_space<vmem>>, vector<1x16xf32>,
    } else {
    }
    return
  }
  func.func @transform_0(%arg0: i32) -> (i32, i32, i32) {
    %c0_i32 = arith.constant 0 : i32
    %c0_i32_0 = arith.constant 0 : i32
    %c0_i32_1 = arith.constant 0 : i32
    return %c0_i32, %arg0, %c0_i32_0 : i32, i32, i32
  }
  func.func @transform_1(%arg0: i32) -> (i32, i32) {
    %c0_i32 = arith.constant 0 : i32
    %c0_i32_0 = arith.constant 0 : i32
    return %arg0, %c0_i32 : i32, i32
  }
  func.func @transform_2(%arg0: i32) -> (i32, i32) {
    %c0_i32 = arith.constant 0 : i32
    %c0_i32_0 = arith.constant 0 : i32
    return %arg0, %c0_i32 : i32, i32
  }
  func.func @transform_3(%arg0: i32) -> (i32, i32) {
    %c0_i32 = arith.constant 0 : i32
    %c0_i32_0 = arith.constant 0 : i32
    %c0_i32_1 = arith.constant 0 : i32
    return %c0_i32, %c0_i32_0 : i32, i32
  }
  func.func @transform_4(%arg0: i32) -> (i32, i32) {
    %c0_i32 = arith.constant 0 : i32
    %c0_i32_0 = arith.constant 0 : i32
    %c0_i32_1 = arith.constant 0 : i32
    return %c0_i32, %c0_i32_0 : i32, i32
  }
  func.func @transform_5(%arg0: i32) -> (i32, i32) {
    %c0_i32 = arith.constant 0 : i32
    %c0_i32_0 = arith.constant 0 : i32
    %c0_i32_1 = arith.constant 0 : i32
    return %c0_i32, %c0_i32_0 : i32, i32
  }
  func.func @transform_6(%arg0: i32) -> (i32, i32) {
    %c0_i32 = arith.constant 0 : i32
    %c0_i32_0 = arith.constant 0 : i32
    %c0_i32_1 = arith.constant 0 : i32
    return %c0_i32, %c0_i32_0 : i32, i32
  }
  func.func @transform_7(%arg0: i32) -> (i32, i32) {
    %c0_i32 = arith.constant 0 : i32
    %c0_i32_0 = arith.constant 0 : i32
    %c0_i32_1 = arith.constant 0 : i32
    return %c0_i32, %c0_i32_0 : i32, i32
  }
  func.func @transform_8(%arg0: i32) -> (i32, i32) {
    %c0_i32 = arith.constant 0 : i32
    %c0_i32_0 = arith.constant 0 : i32
    return %arg0, %c0_i32 : i32, i32
  }
  func.func @transform_9(%arg0: i32) -> (i32, i32) {
    %c0_i32 = arith.constant 0 : i32
    %c0_i32_0 = arith.constant 0 : i32
    return %arg0, %c0_i32 : i32, i32
  }
  func.func @transform_10(%arg0: i32) -> (i32, i32) {
    %c0_i32 = arith.constant 0 : i32
    %c0_i32_0 = arith.constant 0 : i32
    return %arg0, %c0_i32 : i32, i32
  }
  func.func @transform_11(%arg0: i32) -> (i32, i32) {
    %c0_i32 = arith.constant 0 : i32
    %c0_i32_0 = arith.constant 0 : i32
    %c0_i32_1 = arith.constant 0 : i32
    return %c0_i32, %c0_i32_0 : i32, i32
  }
  func.func @transform_12(%arg0: i32) -> (i32, i32) {
    %c0_i32 = arith.constant 0 : i32
    %c0_i32_0 = arith.constant 0 : i32
    %c0_i32_1 = arith.constant 0 : i32
    return %c0_i32, %c0_i32_0 : i32, i32
  }
}

module attributes {stable_mosaic.version = 14 : i64} {
  func.func @_tc3_body(%arg0: i32, %arg1: memref<2x1000x48xf32, #tpu.memory_space<vmem>>, %arg2: memref<1000x48xf32, #tpu.memory_space<vmem>>, %arg3: memref<1000x16xf32, #tpu.memory_space<vmem>>, %arg4: memref<1000x16xf32, #tpu.memory_space<vmem>>, %arg5: memref<1x16xf32, #tpu.memory_space<vmem>>, %arg6: memref<1x40xf32, #tpu.memory_space<vmem>>, %arg7: memref<1000x40xf32, #tpu.memory_space<vmem>>) attributes {dimension_semantics = [#tpu.dimension_semantics<arbitrary>], iteration_bounds = array<i64: 10>, scalar_prefetch = 0 : i64, scratch_operands = 0 : i64, tpu.core_type = #tpu.core_type<tc>, window_params = [{transform_indices = @transform_0, window_bounds = array<i64: 2, 1000, 48>}, {transform_indices = @transform_1, window_bounds = array<i64: 1000, 48>}, {transform_indices = @transform_2, window_bounds = array<i64: 1000, 16>}, {transform_indices = @transform_3, window_bounds = array<i64: 1000, 16>}, {pipeline_mode = #tpu.pipeline_mode<synchronous>, transform_indices = @transform_4, window_bounds = array<i64: 1, 16>}, {pipeline_mode = #tpu.pipeline_mode<synchronous>, transform_indices = @transform_5, window_bounds = array<i64: 1, 40>}, {transform_indices = @transform_6, window_bounds = array<i64: 1000, 40>}]} {
    %get3A = arith.constant 0 : index
    %get3A_0 = arith.constant 0 : index
    %get3A_1 = arith.constant 0 : index
    %get3A_2 = vector.load %arg1[%get3A, %get3A_0, %get3A_1] : memref<2x1000x48xf32, #tpu.memory_space<vmem>>, vector<1x1000x48xf32>
    %get3A_3 = vector.shape_cast %get3A_2 : vector<1x1000x48xf32> to vector<1000x48xf32>
    %get3A_4 = arith.constant 1 : index
    %get3A_5 = arith.constant 0 : index
    %get3A_6 = arith.constant 0 : index
    %get3A_7 = vector.load %arg1[%get3A_4, %get3A_5, %get3A_6] : memref<2x1000x48xf32, #tpu.memory_space<vmem>>, vector<1x1000x48xf32>
    %get3A_8 = vector.shape_cast %get3A_7 : vector<1x1000x48xf32> to vector<1000x48xf32>
    %add3A = arith.addf %get3A_3, %get3A_8 : vector<1000x48xf32>
    %slice3A = vector.extract_strided_slice %add3A {offsets = [0, 0], sizes = [1000, 40], strides = [1, 1]} : vector<1000x48xf32> to vector<1000x40xf32>
    %slice3A_9 = vector.extract_strided_slice %add3A {offsets = [0, 40], sizes = [1000, 1], strides = [1, 1]} : vector<1000x48xf32> to vector<1000x1xf32>
    %get3A_10 = arith.constant 0 : index
    %get3A_11 = arith.constant 0 : index
    %get3A_12 = vector.load %arg3[%get3A_10, %get3A_11] : memref<1000x16xf32, #tpu.memory_space<vmem>>, vector<1000x1xf32>
    %get3A_13 = arith.constant 0 : index
    %get3A_14 = arith.constant 0 : index
    %get3A_15 = vector.load %arg4[%get3A_13, %get3A_14] : memref<1000x16xf32, #tpu.memory_space<vmem>>, vector<1000x1xf32>
    %add3A_16 = arith.addf %get3A_12, %get3A_15 : vector<1000x1xf32>
    %mul3A = arith.constant 2.000000e-01 : f32
    %mul3A_17 = vector.broadcast %mul3A : f32 to vector<1000x1xf32>
    %mul3A_18 = arith.mulf %mul3A_17, %add3A_16 : vector<1000x1xf32>
    %max3A = arith.maximumf %add3A_16, %mul3A_18 : vector<1000x1xf32>
    %get3A_19 = arith.constant 0 : index
    %get3A_20 = arith.constant 0 : index
    %get3A_21 = vector.load %arg5[%get3A_19, %get3A_20] : memref<1x16xf32, #tpu.memory_space<vmem>>, vector<1x1xf32>
    %sub3A = vector.broadcast %get3A_21 : vector<1x1xf32> to vector<1000x1xf32>
    %sub3A_22 = arith.subf %max3A, %sub3A : vector<1000x1xf32>
    %exp3A = math.exp %sub3A_22 : vector<1000x1xf32>
    %get3A_23 = arith.constant 0 : index
    %get3A_24 = arith.constant 0 : index
    %get3A_25 = vector.load %arg2[%get3A_23, %get3A_24] : memref<1000x48xf32, #tpu.memory_space<vmem>>, vector<1000x40xf32>
    %mul3A_26 = vector.broadcast %exp3A : vector<1000x1xf32> to vector<1000x40xf32>
    %mul3A_27 = arith.mulf %mul3A_26, %get3A_25 : vector<1000x40xf32>
    %add3A_28 = arith.addf %slice3A, %mul3A_27 : vector<1000x40xf32>
    %add3A_29 = arith.addf %slice3A_9, %exp3A : vector<1000x1xf32>
    %div3A = vector.broadcast %add3A_29 : vector<1000x1xf32> to vector<1000x40xf32>
    %div3A_30 = arith.divf %add3A_28, %div3A : vector<1000x40xf32>
    %get3A_31 = arith.constant 0 : index
    %get3A_32 = arith.constant 0 : index
    %get3A_33 = vector.load %arg6[%get3A_31, %get3A_32] : memref<1x40xf32, #tpu.memory_space<vmem>>, vector<1x40xf32>
    %add3A_34 = vector.broadcast %get3A_33 : vector<1x40xf32> to vector<1000x40xf32>
    %add3A_35 = arith.addf %div3A_30, %add3A_34 : vector<1000x40xf32>
    %reduce_max3A = arith.constant dense<0xFF800000> : vector<1000xf32>
    %reduce_max3A_36 = vector.multi_reduction <maximumf>, %add3A_35, %reduce_max3A [1] : vector<1000x40xf32> to vector<1000xf32>
    %broadcast_in_dim3A = vector.shape_cast %reduce_max3A_36 : vector<1000xf32> to vector<1000x1xf32>
    %sub3A_37 = vector.broadcast %broadcast_in_dim3A : vector<1000x1xf32> to vector<1000x40xf32>
    %sub3A_38 = arith.subf %add3A_35, %sub3A_37 : vector<1000x40xf32>
    %exp3A_39 = math.exp %sub3A_38 : vector<1000x40xf32>
    %reduce_sum3A = arith.constant dense<0.000000e+00> : vector<1000xf32>
    %reduce_sum3A_40 = vector.multi_reduction <add>, %exp3A_39, %reduce_sum3A [1] : vector<1000x40xf32> to vector<1000xf32>
    %broadcast_in_dim3A_41 = vector.shape_cast %reduce_sum3A_40 : vector<1000xf32> to vector<1000x1xf32>
    %log3A = math.log %broadcast_in_dim3A_41 : vector<1000x1xf32>
    %sub3A_42 = vector.broadcast %log3A : vector<1000x1xf32> to vector<1000x40xf32>
    %sub3A_43 = arith.subf %sub3A_38, %sub3A_42 : vector<1000x40xf32>
    %swap3A = arith.constant 0 : index
    %swap3A_44 = arith.constant 0 : index
    %swap3A_45 = vector.load %arg7[%swap3A, %swap3A_44] : memref<1000x40xf32, #tpu.memory_space<vmem>>, vector<1000x40xf32>
    tpu.vector_store %arg7[%swap3A, %swap3A_44], %sub3A_43 {strides = array<i32>} : memref<1000x40xf32, #tpu.memory_space<vmem>>, vector<1000x40xf32>,
    return
  }
  func.func @transform_0(%arg0: i32) -> (i32, i32, i32) {
    %c0_i32 = arith.constant 0 : i32
    %c0_i32_0 = arith.constant 0 : i32
    %c0_i32_1 = arith.constant 0 : i32
    return %c0_i32, %arg0, %c0_i32_0 : i32, i32, i32
  }
  func.func @transform_1(%arg0: i32) -> (i32, i32) {
    %c0_i32 = arith.constant 0 : i32
    %c0_i32_0 = arith.constant 0 : i32
    return %arg0, %c0_i32 : i32, i32
  }
  func.func @transform_2(%arg0: i32) -> (i32, i32) {
    %c0_i32 = arith.constant 0 : i32
    %c0_i32_0 = arith.constant 0 : i32
    return %arg0, %c0_i32 : i32, i32
  }
  func.func @transform_3(%arg0: i32) -> (i32, i32) {
    %c0_i32 = arith.constant 0 : i32
    %c0_i32_0 = arith.constant 0 : i32
    return %arg0, %c0_i32 : i32, i32
  }
  func.func @transform_4(%arg0: i32) -> (i32, i32) {
    %c0_i32 = arith.constant 0 : i32
    %c0_i32_0 = arith.constant 0 : i32
    %c0_i32_1 = arith.constant 0 : i32
    return %c0_i32, %c0_i32_0 : i32, i32
  }
  func.func @transform_5(%arg0: i32) -> (i32, i32) {
    %c0_i32 = arith.constant 0 : i32
    %c0_i32_0 = arith.constant 0 : i32
    %c0_i32_1 = arith.constant 0 : i32
    return %c0_i32, %c0_i32_0 : i32, i32
  }
  func.func @transform_6(%arg0: i32) -> (i32, i32) {
    %c0_i32 = arith.constant 0 : i32
    %c0_i32_0 = arith.constant 0 : i32
    return %arg0, %c0_i32 : i32, i32
  }
}

</mosaic_0001>

<sc_bundles>
// kernel: kernel.10.cloned.1.call-start
scs
__scs_entry_jumppad:
0x0: {  	(pc) =	sbr.rel $0x88, $3  }
0x1: {  	(tag) =	ssettag $0x0;
	lr =	simm.s32 $0x1  }
0x2: {  	[smem:$0x3F97] =	sst lr;
	_ =	strace $0xD0000000  }
0x3: {  	_ = 	snop  }
0x4: {  	_ = 	snop  }
0x5: {  	_ = 	snop  }
0x6: {  	_ = 	snop  }
0x7: {  	_ = 	snop  }
__scs_overlays_trampoline_lowered:
0x8: {  	[smem:$0x3FA6] =	sst s0  }
0x9: {  	[smem:$0x3FA7] =	sst s1  }
0xa: {  	[smem:$0x3FA8] =	sst s2  }
0xb: {  	[smem:$0x3FA9] =	sst s3  }
0xc: {  	[smem:$0x3FAA] =	sst s4  }
0xd: {  	[smem:$0x3FAB] =	sst s5  }
0xe: {  	[smem:$0x3FAC] =	sst s6  }
0xf: {  	[smem:$0x3FAD] =	sst s7  }
0x10: {  	[smem:$0x3FAE] =	sst s8  }
0x11: {  	[smem:$0x3FAF] =	sst s9;
	s0 =	simm.s32 @!p0 $0x0  }
0x12: {  	s1 =	sld [smem:$0x3F95];
	s0 =	simm.s32 @p0 $0x1  }
0x13: {  	[smem:$0x3FB0] =	sst s0;
	s0 =	simm.s32 @!p1 $0x0  }
0x14: {  	s2 =	sld [smem:$0x3F94];
	s0 =	simm.s32 @p1 $0x1  }
0x15: {  	[smem:$0x3FB1] =	sst s0;
	s0 =	simm.s32 @!p2 $0x0  }
0x16: {  	s3 =	sld [smem:$0x3FDB];
	s0 =	simm.s32 @p2 $0x1  }
0x17: {  	s4 =	simm.s32 $0x1BF5;
	[smem:$0x3FB3] =	sst s0  }
0x18: {  	s0 =	sld [smem:$0x3F96];
	_ =	swait.ge [sflag:s4], $0x0  }
0x19: {  	s7 =	sld [smem:$0x3F97]  }
0x1a: {  	s8 =	sadd.s32 $0xFFFFE003, lr  }
0x1b: {  	s9 =	sadd.s32 $0xFFFFFEF7, lr;
	s5 =	simm.s32 $0xFFFFFFFF;
	p2 =	slt.u32 s8, $0xFFFFF086  }
0x1c: {  	p1 =	slt.u32 s9, $0xF7A;
	s5 =	simm.s32 @!p2 $0x0  }
0x1d: {  	s5 =	simm.s32 @p1 $0x1;
	p0 =	seq.s32 s7, s2  }
0x1e: {  	s7 =	smul.u32 @!p0 $0xF7A, s2;
	p2 =	seq.s32 @!p0 s5, $0x0  }
0x1f: {  	s9 =	smul.u32 $0xF7A, s1;
	s8 =	simm.s32 @!p0 $0x1BF5;
	p2 =	por !p2, p0  }
0x20: {  	[sflag:s8] =	ssyncset.s32 @!p0 $0xFFFFF086;
	s6 =	sadd.s32 @!p0 s3, s7;
	s7 =	simm.s32 @!p0 $0x108  }
0x21: {  	s3 =	sadd.s32 s3, s9;
	s6 =	sadd.s32 @!p0 $0x88, s6;
	s7 =	simm.s32 @p2 $0x1082  }
0x22: {  	[simem:s7], [sflag:s8] =	dma.local @!p0 [hbm:s6], $0xF7A  }
0x23: {  	s9 =	sor.u32 $0xD0000000, s2;
	s6 =	simm.s32 $0x108;
	_ =	swait.ge @!p0 [sflag:s8], $0x0  }
0x24: {  	s3 =	sadd.s32 $0x88, s3;
	s6 =	simm.s32 @!p1 $0x1082;
	[sflag:s4] =	ssyncset.s32 $0xFFFFF086  }
0x25: {  	[simem:s6], [sflag:s4] =	dma.local [hbm:s3], $0xF7A  }
0x26: {  	[smem:$0x3F97] =	sst s1;
	(tag) =	ssettag s2;
	_ =	strace s9  }
0x27: {  	s1 =	sld [smem:$0x3FA7]  }
0x28: {  	s2 =	sld [smem:$0x3FA8]  }
0x29: {  	s4 =	sld [smem:$0x3FAA]  }
0x2a: {  	p0 =	seq.s32 s5, $0x0;
	s5 =	sld [smem:$0x3FAB]  }
0x2b: {  	s6 =	sld [smem:$0x3FAC]  }
0x2c: {  	s7 =	sld [smem:$0x3FAD]  }
0x2d: {  	s3 =	simm.s32 $0x108;
	s8 =	sld [smem:$0x3FAE]  }
0x2e: {  	s3 =	simm.s32 @!p0 $0x1082;
	s9 =	sld [smem:$0x3FAF]  }
0x2f: {  	lr =	sadd.s32 s0, s3;
	s0 =	sld [smem:$0x3FA6]  }
0x30: {  	s3 =	sld [smem:$0x3FA9]  }
0x31: {  	[smem:$0x3FB2] =	sst s10  }
0x32: {  	s10 =	sld [smem:$0x3FB0];
	_ =	sdelay $0x3  }
0x33: {  	p0 =	seq.s32 s10, $0x1;
	s10 =	sld [smem:$0x3FB2];
	_ =	sdelay $0x3  }
0x34: {  	[smem:$0x3FB2] =	sst s10  }
0x35: {  	s10 =	sld [smem:$0x3FB1];
	_ =	sdelay $0x3  }
0x36: {  	p1 =	seq.s32 s10, $0x1;
	s10 =	sld [smem:$0x3FB2];
	_ =	sdelay $0x3  }
0x37: {  	[smem:$0x3FB2] =	sst s10  }
0x38: {  	s10 =	sld [smem:$0x3FB3]  }
0x39: {  	_ = 	snop;
	(pc) =	sbr.ind lr, $3  }
0x3a: {  	_ = 	snop  }
0x3b: {  	_ = 	snop  }
0x3c: {  	p2 =	seq.s32 s10, $0x1;
	s10 =	sld [smem:$0x3FB2]  }
0x3d: {  	_ =	shalt  }
0x3e: {  	_ =	shalt  }
0x3f: {  	_ =	shalt  }
0x40: {  	_ =	shalt  }
0x41: {  	_ =	shalt  }
0x42: {  	_ =	shalt  }
0x43: {  	_ =	shalt  }
0x44: {  	_ =	shalt  }
0x45: {  	_ =	shalt  }
0x46: {  	_ =	shalt  }
0x47: {  	_ =	shalt  }
0x48: {  	_ =	shalt  }
0x49: {  	_ =	shalt  }
0x4a: {  	_ =	shalt  }
0x4b: {  	_ =	shalt  }
0x4c: {  	_ =	shalt  }
0x4d: {  	_ =	shalt  }
0x4e: {  	_ =	shalt  }
0x4f: {  	_ =	shalt  }
0x50: {  	_ =	shalt  }
0x51: {  	_ =	shalt  }
0x52: {  	_ =	shalt  }
0x53: {  	_ =	shalt  }
0x54: {  	_ =	shalt  }
0x55: {  	_ =	shalt  }
0x56: {  	_ =	shalt  }
0x57: {  	_ =	shalt  }
0x58: {  	_ =	shalt  }
0x59: {  	_ =	shalt  }
0x5a: {  	_ =	shalt  }
0x5b: {  	_ =	shalt  }
0x5c: {  	_ =	shalt  }
0x5d: {  	_ =	shalt  }
0x5e: {  	_ =	shalt  }
0x5f: {  	_ =	shalt  }
0x60: {  	_ =	shalt  }
0x61: {  	_ =	shalt  }
0x62: {  	_ =	shalt  }
0x63: {  	_ =	shalt  }
0x64: {  	_ =	shalt  }
0x65: {  	_ =	shalt  }
0x66: {  	_ =	shalt  }
0x67: {  	_ =	shalt  }
0x68: {  	_ =	shalt  }
0x69: {  	_ =	shalt  }
0x6a: {  	_ =	shalt  }
0x6b: {  	_ =	shalt  }
0x6c: {  	_ =	shalt  }
0x6d: {  	_ =	shalt  }
0x6e: {  	_ =	shalt  }
0x6f: {  	_ =	shalt  }
0x70: {  	_ =	shalt  }
0x71: {  	_ =	shalt  }
0x72: {  	_ =	shalt  }
0x73: {  	_ =	shalt  }
0x74: {  	_ =	shalt  }
0x75: {  	_ =	shalt  }
0x76: {  	_ =	shalt  }
0x77: {  	_ =	shalt  }
0x78: {  	_ =	shalt  }
0x79: {  	_ =	shalt  }
0x7a: {  	_ =	shalt  }
0x7b: {  	_ =	shalt  }
0x7c: {  	_ =	shalt  }
0x7d: {  	_ =	shalt  }
0x7e: {  	_ =	shalt  }
0x7f: {  	_ =	shalt  }
0x80: {  	_ =	shalt  }
0x81: {  	_ =	shalt  }
0x82: {  	_ =	shalt  }
0x83: {  	_ =	shalt  }
0x84: {  	_ =	shalt  }
0x85: {  	_ =	shalt  }
0x86: {  	_ =	shalt  }
0x87: {  	_ =	shalt  }
.Lfunc_end0:
.L_simem_size_0:
called_computation.1_lowered:
.L_overlay_start_0:
0x88: {  	s2 =	sld [smem:$0x3FD9]  }
0x89: {  	s3 =	sld [smem:$0x3FFE];
	_ =	sdelay $0x1  }
0x8a: {  	s1 =	srdreg.scid  }
0x8b: {  	s0 =	sand.u32 $0x1, s1  }
0x8c: {  	s17 =	sshll.u32 s0, $0xA;
	s2 =	sadd.s32 s3, s2  }
0x8d: {  	s2 =	sadd.s32 s2, s17  }
0x8e: {  	[smem:$0x3FBE] =	sst s2  }
0x8f: {  	_ = 	snop  }
0x90: {  	s2 =	sld [smem:$0x3FD0];
	(tm) =	ssettm $0x1  }
0x91: {  	s18 =	sld [smem:$0x3FFB];
	_ =	sdelay $0x3  }
0x92: {  	_ =	strace s18  }
0x93: {  	s3 =	sld [smem:$0x3FFC];
	_ =	sdelay $0x3  }
0x94: {  	_ =	strace s3  }
0x95: {  	s3 =	sld [smem:$0x3FFD];
	_ =	sdelay $0x3  }
0x96: {  	_ =	strace s3  }
0x97: {  	_ =	strace $0x8FFFFFFF  }
0x98: {  	s19 =	sld [smem:$0x3FDB];
	_ =	sdelay $0x1  }
0x99: {  	s4 =	simm.s32 $_scs_section_size  }
0x9a: {  	s5 =	simm.s32 $_size__tile_overlayer_lowered;
	s6 =	simm.s32 $_tile_overlayer_lowered  }
0x9b: {  	s22 =	simm.s32 $0x1BFF;
	s21 =	sshll.u32 s6, $0x1;
	s3 =	sadd.s32 s4, s19  }
0x9c: {  	s7 =	simm.s32 $0x0;
	s20 =	sshll.u32 s5, $0x1;
	s5 =	sadd.s32 s21, s3  }
0x9d: {  	[timem:s7], [sflag:s22] =	dma.local [hbm:s5], s20  }
0x9e: {  	_ =	swait.ge [sflag:s22], s20  }
0x9f: {  	s4 =	ssub.s32 $0x0, s20;
	[sflag:s22] =	ssyncset.done $0x0  }
0xa0: {  	[sflag:s22] =	ssyncadd.s32 s4;
	_ =	sdelay $0x1  }
0xa1: {  	s23 =	simm.s32 $0x1B8B  }
0xa2: {  	_ =	swait.ge [sflag:s23], $0x1  }
0xa3: {  	[sflag:s23] =	ssyncset.done $0x0  }
0xa4: {  	s25 =	simm.s32 $0x1B8E;
	s24 =	sld [smem:$0x3FFE];
	[sflag:s23] =	ssyncadd.s32 $0xFFFFFFFF  }
0xa5: {  	s26 =	simm.s32 $execute0_lowered;
	[smem:$0x3FD2] =	sst s25  }
0xa6: {  	s5 =	sshll.u32 s26, $0x1;
	_ =	strace $0x80000049;
	[dreg:$0x1] =	wrdreg $0xFFFFFFFF  }
0xa7: {  	s28 =	simm.s32 $_size_execute0_lowered;
	s3 =	sadd.s32 s3, s5;
	[dreg:$0x0] =	wrdreg $0x0  }
0xa8: {  	s5 =	sshll.u32 s28, $0x1;
	[dreg:$0x2] =	wrdreg s3  }
0xa9: {  	[dreg:$0x3] =	wrdreg s5  }
0xaa: {  	[dreg:$0x4] =	wrdreg $0xC0  }
0xab: {  	_ =	task [dreg:s7], $0x5FFFF  }
0xac: {  	[dreg:$0x1] =	wrdreg $0xFFFFFFFF  }
0xad: {  	[dreg:$0x0] =	wrdreg $0x60  }
0xae: {  	[dreg:$0x2] =	wrdreg s24  }
0xaf: {  	[dreg:$0x3] =	wrdreg s2  }
0xb0: {  	[dreg:$0x4] =	wrdreg $0x29100  }
0xb1: {  	[dreg:$0x5] =	wrdreg $0x9  }
0xb2: {  	_ =	task.clear_ibuf [dreg:s7], $0x6FFFF;
	_ =	strace $0x90000049  }
0xb3: {  	s29 =	simm.s32 $0x9;
	_ =	strace $0x8000004B  }
0xb4: {  	_ =	swait.ge [sflag:s29], $0x1  }
0xb5: {  	[sflag:s29] =	ssyncadd.s32 $0xFFFFFFFF  }
0xb6: {  	_ =	strace $0x9000004B  }
0xb7: {  	_ =	sfence  }
0xb8: {  	s30 =	sld [smem:$0x0];
	_ =	sdelay $0x2  }
0xb9: {  	s31 =	sshll.u32 s1, $0xD;
	s1 =	sshrl.u32 s1, $0x2  }
0xba: {  	s3 =	sand.u32 $0x4000, s31;
	s1 =	sadd.s32 s1, s30  }
0xbb: {  	s0 =	sor.u32 s3, s0;
	s1 =	sshll.u32 s1, $0x11  }
0xbc: {  	s0 =	sor.u32 s1, s0  }
0xbd: {  	s0 =	sadd.s32 $0x8F2B, s0  }
0xbe: {  	[sflag:s0] =	ssyncadd.remote.s32 $0x1  }
0xbf: {  	_ =	sfence.sel $0xFFFF  }
0xc0: {  	[dreg:$0x0] =	wrdreg $0xFFFFFFFF;
	(pc) =	sbr.abs _section_cstart, $3  }
0xc1: {  	[dreg:$0x1] =	wrdreg $0xFFFFFFFF  }
0xc2: {  	_ =	task.clear_ibuf [dreg:s7], $0x2FFFF;
	_ =	strace $0x9FFFFFFF  }
0xc3: {  	(tm) =	ssettm $0x7FFFFFFF  }
tec
execute0_lowered:
.L_overlay_start_1:
0x0: {  	(tag) =	ssettag $0x1  }
0x1: {  	s0 =	rddreg [dreg:$0x0]  }
0x2: {  	s1 =	rddreg [dreg:$0x1]  }
0x3: {  	s3 =	rddreg [dreg:$0x2];
	s4 =	simm.s32 $0x0  }
0x4: {  	s15 =	stileid.u32;
	s2 =	srdreg.scid;
	s16 =	simm.s32 $0x4  }
0x5: {  	s19 =	simm.s32 $0x80;
	s20 =	simm.s32 $0x100;
	s21 =	simm.s32 $0x1900  }
0x6: {  	s22 =	simm.s32 $0x2100;
	s23 =	simm.s32 $0x1;
	s24 =	simm.s32 $0x2  }
0x7: {  	s25 =	simm.s32 $0x3;
	s26 =	simm.s32 $0x0;
	[smem:$0x7FF] =	sst s4  }
0x8: {  	s10 =	smul.u32 $0x7800, s15;
	s2 =	sand.u32 $0x1, s2;
	s5 =	sadd.s32 $0xA9000, s0  }
0x9: {  	s6 =	sadd.s32 $0x2C00, s0;
	s7 =	sadd.s32 $0x16800, s0;
	s8 =	sadd.s32 $0x11800, s0  }
0xa: {  	s9 =	sadd.s32 $0x2A00, s0;
	s29 =	sshll.u32 s15, $0x1;
	s31 =	sshll.u32 s15, $0x6  }
0xb: {  	s15 =	simm.s32 $0x2900;
	_ =	strace $0x8000004A;
	s11 =	smul.u32 $0x78000, s2  }
0xc: {  	s13 =	ssub.s32 $0x2, s2;
	s2 =	sor.u32 s2, s29;
	s17 =	sor.u32 $0x1C04, s31  }
0xd: {  	s12 =	sshrl.u32 s10, $0x3;
	s14 =	sshrl.u32 s13, $0x1;
	s18 =	sadd.s32 s10, s3  }
0xe: {  	s30 =	ssub.s32 $0x9E3, s2;
	s11 =	sadd.s32 s10, s11;
	s12 =	sadd.s32 s12, s0  }
0xf: {  	s14 =	ssub.s32 s13, s14;
	s13 =	sshrl.u32 s30, $0x5;
	s11 =	sshrl.u32 s11, $0x3  }
0x10: {  	s18 =	sshrl.u32 s18, $0x3;
	s10 =	sadd.s32 $0x1B800, s12;
	s0 =	sadd.s32 s11, s0  }
0x11: {  	s14 =	smax.u32 s14, $0x1;
	s11 =	sshll.u32 s2, $0x7;
	s12 =	sadd.s32 $0x2A800, s0  }
.LBB2_1:
0x12: {  	[tilespmem:s15], [sflag:$0x4] =	stream.linear.gather [hbm4b:s9+s4], $0x10, $0x38;
	[tilespmem:$0xA110] =	vst v63  }
0x13: {  	_ =	swait.ge [sflag:s16], $0x10  }
0x14: {  	[sflag:s16] =	ssyncset.done $0x0  }
0x15: {  	[sflag:s16] =	ssyncadd.s32 $0xFFFFFFF0  }
0x16: {  	[spmem:s18], [sflag:s17] =	dma.local [hbm:s10], $0xF00  }
0x17: {  	_ =	swait.ge [sflag:s16], $0xF00  }
0x18: {  	[sflag:s16] =	ssyncset.done $0x0  }
0x19: {  	[sflag:s16] =	ssyncadd.s32 $0xFFFFF100  }
0x1a: {  	s28 =	simm.s32 $0x0;
	[bflag:$0x0] =	sbarrier.arrive $0xFFFF  }
.LBB2_2:
0x1b: {  	s0 =	sshll.u32 s28, $0xC  }
0x1c: {  	s0 =	sor.u32 s11, s0  }
0x1d: {  	s0 =	sshrl.u32 s0, $0x3  }
0x1e: {  	s2 =	sadd.s32 s5, s0  }
0x1f: {  	[tilespmem:s4], [sflag:$0x4] =	stream.linear.gather [hbm4b:s2+s4], $0x80, $0x38;
	[tilespmem:$0xA110] =	vst v63  }
0x20: {  	_ =	swait.ge [sflag:s16], $0x80  }
0x21: {  	[sflag:s16] =	ssyncset.done $0x0  }
0x22: {  	s0 =	sadd.s32 s1, s0;
	[sflag:s16] =	ssyncadd.s32 $0xFFFFFF80  }
0x23: {  	[tilespmem:s19], [sflag:$0x4] =	stream.linear.gather [hbm4b:s0+s4], $0x80, $0x38;
	[tilespmem:$0xA110] =	vst v63  }
0x24: {  	_ =	swait.ge [sflag:s16], $0x80  }
0x25: {  	[sflag:s16] =	ssyncset.done $0x0  }
0x26: {  	[sflag:s16] =	ssyncadd.s32 $0xFFFFFF80  }
0x27: {  	[tilespmem:s20], [sflag:$0x1] =	stream.indirect.gather [hbm4b:s6+s19], $0x30, s4, s19, $0xb8;
	[tilespmem:$0xA110] =	vst v63  }
0x28: {  	_ = 	snop  }
0x29: {  	[tilespmem:s21], [sflag:$0x2] =	stream.indirect.gather [hbm4b:s7+s19], $0x10, s4, s19, $0xb8;
	[tilespmem:$0xA110] =	vst v63  }
0x2a: {  	_ = 	snop  }
0x2b: {  	[tilespmem:s22], [sflag:$0x3] =	stream.indirect.gather [hbm4b:s8+s19], $0x10, s19, s19, $0xb8;
	[tilespmem:$0xA110] =	vst v63  }
0x2c: {  	_ =	swait.ge [sflag:s23], $0x1800  }
0x2d: {  	[sflag:s23] =	ssyncset.done $0x0  }
0x2e: {  	[sflag:s23] =	ssyncadd.s32 $0xFFFFE800  }
0x2f: {  	_ =	swait.ge [sflag:s24], $0x800  }
0x30: {  	[sflag:s24] =	ssyncset.done $0x0  }
0x31: {  	[sflag:s24] =	ssyncadd.s32 $0xFFFFF800  }
0x32: {  	_ =	swait.ge [sflag:s25], $0x800  }
0x33: {  	[sflag:s25] =	ssyncset.done $0x0  }
0x34: {  	s29 =	simm.s32 $0x1910;
	[sflag:s25] =	ssyncadd.s32 $0xFFFFF800  }
0x35: {  	s30 =	simm.s32 $0x2110;
	v1 =	vld [tilespmem:s29+$0xFFFFFFF0]  }
0x36: {  	v2 =	vld [tilespmem:s30+$0xFFFFFFF0];
	_ =	sdelay $0x4  }
0x37: {  	v0 =	vld [tilespmem:$0x2900];
	v1 =	vadd.f32 v2, v1;
	_ =	sdelay $0x1  }
0x38: {  	v2 =	vmul.f32 $2.000000030e-01, v1;
	_ =	sdelay $0x1  }
0x39: {  	v1 =	vmax.f32 v1, v2  }
0x3a: {  	v1 =	vsub.f32 v1, v0;
	_ =	sdelay $0x1  }
0x3b: {  	v1 =	vmul.f32 $1.442695020e+00, v1;
	_ =	sdelay $0x1  }
0x3c: {  	(erf) = vpow2.f32 v1;
	_ =	sdelay $0x3  }
0x3d: {  	s31 =	simm.s32 $0x130  }
0x3e: {  	v1 =	vld [tilespmem:s31+$0xFFFFFFE0]  }
0x3f: {  	v2 =	vld [tilespmem:s31+$0xFFFFFFF0]  }
0x40: {  	v3 =	vld [tilespmem:s31+$0xFFFFFFD0];
	_ =	sdelay $0x1  }
0x41: {  	v4 =	vpop (erf)  }
0x42: {  	v1 =	vmul.f32 v4, v1  }
0x43: {  	v2 =	vmul.f32 v4, v2  }
0x44: {  	v3 =	vmul.f32 v4, v3;
	[tilespmem:s31+$0xFFFFFFE0] =	vst v1  }
0x45: {  	[tilespmem:s31+$0xFFFFFFF0] =	vst v2  }
0x46: {  	[tilespmem:s31+$0xFFFFFFD0] =	vst v3  }
0x47: {  	v1 =	vld [tilespmem:s29+$0x0]  }
0x48: {  	v2 =	vld [tilespmem:s30+$0x0];
	_ =	sdelay $0x4  }
0x49: {  	v1 =	vadd.f32 v2, v1;
	_ =	sdelay $0x1  }
0x4a: {  	v2 =	vmul.f32 $2.000000030e-01, v1;
	_ =	sdelay $0x1  }
0x4b: {  	v1 =	vmax.f32 v1, v2  }
0x4c: {  	v1 =	vsub.f32 v1, v0;
	_ =	sdelay $0x1  }
0x4d: {  	v3 =	vmul.f32 $1.442695020e+00, v1;
	_ =	sdelay $0x1  }
0x4e: {  	(erf) = vpow2.f32 v3;
	_ =	sdelay $0x3  }
0x4f: {  	v2 =	vld [tilespmem:s31+$0x10]  }
0x50: {  	v1 =	vld [tilespmem:s31+$0x0]  }
0x51: {  	v3 =	vld [tilespmem:s31+$0x20];
	_ =	sdelay $0x1  }
0x52: {  	s2 =	simm.s32 $0x190;
	s0 =	simm.s32 $0x0  }
.LBB2_3:
0x53: {  	s0 =	sadd.s32 $0x2, s0;
	s30 =	sadd.s32 $0x20, s30;
	s29 =	sadd.s32 $0x20, s29;
	v4 =	vpop (erf)  }
0x54: {  	p0 =	slt.u32 s0, $0x7E;
	v1 =	vmul.f32 v4, v1;
	v2 =	vmul.f32 v4, v2  }
0x55: {  	v3 =	vmul.f32 v4, v3  }
0x56: {  	[tilespmem:s31+$0x0] =	vst v1  }
0x57: {  	[tilespmem:s31+$0x20] =	vst v3  }
0x58: {  	[tilespmem:s31+$0x10] =	vst v2;
	s31 =	smov.u32 s2  }
0x59: {  	v1 =	vld [tilespmem:s29+$0xFFFFFFF0]  }
0x5a: {  	v2 =	vld [tilespmem:s30+$0xFFFFFFF0];
	_ =	sdelay $0x4  }
0x5b: {  	v1 =	vadd.f32 v2, v1;
	_ =	sdelay $0x1  }
0x5c: {  	v2 =	vmul.f32 $2.000000030e-01, v1;
	_ =	sdelay $0x1  }
0x5d: {  	v1 =	vmax.f32 v1, v2  }
0x5e: {  	v1 =	vsub.f32 v1, v0;
	_ =	sdelay $0x1  }
0x5f: {  	v1 =	vmul.f32 $1.442695020e+00, v1;
	_ =	sdelay $0x1  }
0x60: {  	(erf) = vpow2.f32 v1;
	_ =	sdelay $0x2  }
0x61: {  	v1 =	vld [tilespmem:s2+$0xFFFFFFF0]  }
0x62: {  	v2 =	vld [tilespmem:s2+$0xFFFFFFE0]  }
0x63: {  	v3 =	vld [tilespmem:s2+$0xFFFFFFD0];
	_ =	sdelay $0x3  }
0x64: {  	v4 =	vpop (erf)  }
0x65: {  	v3 =	vmul.f32 v4, v3;
	v2 =	vmul.f32 v4, v2  }
0x66: {  	v1 =	vmul.f32 v4, v1  }
0x67: {  	[tilespmem:s2+$0xFFFFFFE0] =	vst v2  }
0x68: {  	[tilespmem:s2+$0xFFFFFFF0] =	vst v1  }
0x69: {  	[tilespmem:s2+$0xFFFFFFD0] =	vst v3  }
0x6a: {  	v1 =	vld [tilespmem:s29+$0x0]  }
0x6b: {  	v2 =	vld [tilespmem:s30+$0x0];
	_ =	sdelay $0x4  }
0x6c: {  	v1 =	vadd.f32 v2, v1;
	_ =	sdelay $0x1  }
0x6d: {  	v2 =	vmul.f32 $2.000000030e-01, v1;
	_ =	sdelay $0x1  }
0x6e: {  	v1 =	vmax.f32 v1, v2  }
0x6f: {  	v1 =	vsub.f32 v1, v0;
	_ =	sdelay $0x1  }
0x70: {  	v1 =	vmul.f32 $1.442695020e+00, v1;
	_ =	sdelay $0x1  }
0x71: {  	(erf) = vpow2.f32 v1;
	_ =	sdelay $0x3  }
.Ltmp0:
0x72: {  	v1 =	vld [tilespmem:s2+$0x0];
	(pc) =	sbr.rel @p0 .LBB2_3-.Ltmp0, $3  }
0x73: {  	v2 =	vld [tilespmem:s2+$0x10]  }
0x74: {  	v3 =	vld [tilespmem:s2+$0x20];
	_ =	sdelay $0x1  }
0x75: {  	s2 =	sadd.s32 $0x60, s2  }
0x76: {  	v0 =	vpop (erf)  }
0x77: {  	v1 =	vmul.f32 v0, v1  }
0x78: {  	v3 =	vmul.f32 v0, v3  }
0x79: {  	s28 =	sadd.s32 $0x1, s28;
	v0 =	vmul.f32 v0, v2;
	[tilespmem:s31+$0x0] =	vst v1  }
0x7a: {  	p0 =	sne.s32 s28, s13;
	[tilespmem:s31+$0x20] =	vst v3  }
.Ltmp1:
0x7b: {  	[tilespmem:s31+$0x10] =	vst v0;
	(pc) =	sbr.rel @p0 .LBB2_2-.Ltmp1, $4  }
0x7c: {  	[spmem:s3] =	stream.indirect.scatter.add.f32 [tilespmem:s20], [sflag:$0x4], $0x30, s19, s19, $0xb8;
	[tilespmem:$0xA110] =	vst v63  }
0x7d: {  	_ =	swait.ge [sflag:s16], $0x1800  }
0x7e: {  	[sflag:s16] =	ssyncset.done $0x0  }
0x7f: {  	[sflag:s16] =	ssyncadd.s32 $0xFFFFE800  }
0x80: {  	s26 =	sadd.s32 $0x1, s26  }
0x81: {  	p0 =	sne.s32 s26, s14  }
.Ltmp2:
0x82: {  	[bflag:$0x0] =	sbarrier.arrive $0xFFFF;
	(pc) =	sbr.rel @p0 .LBB2_1-.Ltmp2, $4  }
0x83: {  	[hbm:s12], [sflag:s17] =	dma.local [spmem:s18], $0xF00  }
0x84: {  	_ =	swait.ge [sflag:s16], $0xF00  }
0x85: {  	[sflag:s16] =	ssyncset.done $0x0  }
0x86: {  	[sflag:s16] =	ssyncadd.s32 $0xFFFFF100  }
0x87: {  	_ =	sfence.sel $0x180000  }
0x88: {  	[bflag:$0x0] =	sbarrier.arrive $0xFFFF  }
0x89: {  	_ =	strace $0x9000004A  }
0x8a: {  	s0 =	stileid.u32;
	[bflag:$0x2] =	sbarrier.arrive $0xFFFF  }
0x8b: {  	p0 =	sne.s32 s0, $0x0;
	s0 =	rddreg [dreg:$0x3]  }
0x8c: {  	s0 =	sadd.s32 @!p0 $0x100000, s0  }
0x8d: {  	[sflag:s0] =	ssyncadd.tile.s32 @!p0 $0x1;
	_ =	shalt  }
.Lfunc_end2:
_tile_overlayer_lowered:
.L_overlay_start_2:
0x8e: {  	(tag) =	ssettag $0x2  }
0x8f: {  	s0 =	rddreg [dreg:$0x0];
	s2 =	stileid.u32  }
0x90: {  	s1 =	rddreg [dreg:$0x1];
	p0 =	sne.s32 s2, $0x0  }
0x91: {  	s3 =	rddreg [dreg:$0x2];
	[bflag:$0x3] =	sbarrier.arrive $0xFFFF;
	s2 =	simm.s32 @!p0 $0x1C04  }
0x92: {  	[timem:s3], [sflag:s2] =	dma.local @!p0 [hbm:s0], s1  }
0x93: {  	s0 =	simm.s32 @!p0 $0x4  }
0x94: {  	_ =	swait.ge @!p0 [sflag:s0], s1  }
0x95: {  	s1 =	ssub.s32 @!p0 $0x0, s1;
	[sflag:s0] =	ssyncset.done @!p0 $0x0  }
0x96: {  	[sflag:s0] =	ssyncadd.s32 @!p0 s1  }
0x97: {  	[bflag:$0x3] =	sbarrier.arrive $0xFFFF  }
0x98: {  	_ =	shalt  }

// kernel: kernel.7.cloned.1.call-start
scs
__scs_entry_jumppad:
0x0: {  	(pc) =	sbr.rel $0x88, $3  }
0x1: {  	(tag) =	ssettag $0x0;
	lr =	simm.s32 $0x1  }
0x2: {  	[smem:$0x3F97] =	sst lr;
	_ =	strace $0xD0000000  }
0x3: {  	_ = 	snop  }
0x4: {  	_ = 	snop  }
0x5: {  	_ = 	snop  }
0x6: {  	_ = 	snop  }
0x7: {  	_ = 	snop  }
__scs_overlays_trampoline_lowered:
0x8: {  	[smem:$0x3FA6] =	sst s0  }
0x9: {  	[smem:$0x3FA7] =	sst s1  }
0xa: {  	[smem:$0x3FA8] =	sst s2  }
0xb: {  	[smem:$0x3FA9] =	sst s3  }
0xc: {  	[smem:$0x3FAA] =	sst s4  }
0xd: {  	[smem:$0x3FAB] =	sst s5  }
0xe: {  	[smem:$0x3FAC] =	sst s6  }
0xf: {  	[smem:$0x3FAD] =	sst s7  }
0x10: {  	[smem:$0x3FAE] =	sst s8  }
0x11: {  	[smem:$0x3FAF] =	sst s9;
	s0 =	simm.s32 @!p0 $0x0  }
0x12: {  	s1 =	sld [smem:$0x3F95];
	s0 =	simm.s32 @p0 $0x1  }
0x13: {  	[smem:$0x3FB0] =	sst s0;
	s0 =	simm.s32 @!p1 $0x0  }
0x14: {  	s2 =	sld [smem:$0x3F94];
	s0 =	simm.s32 @p1 $0x1  }
0x15: {  	[smem:$0x3FB1] =	sst s0;
	s0 =	simm.s32 @!p2 $0x0  }
0x16: {  	s3 =	sld [smem:$0x3FDB];
	s0 =	simm.s32 @p2 $0x1  }
0x17: {  	s4 =	simm.s32 $0x1BF5;
	[smem:$0x3FB3] =	sst s0  }
0x18: {  	s0 =	sld [smem:$0x3F96];
	_ =	swait.ge [sflag:s4], $0x0  }
0x19: {  	s7 =	sld [smem:$0x3F97]  }
0x1a: {  	s8 =	sadd.s32 $0xFFFFE003, lr  }
0x1b: {  	s9 =	sadd.s32 $0xFFFFFEF7, lr;
	s5 =	simm.s32 $0xFFFFFFFF;
	p2 =	slt.u32 s8, $0xFFFFF086  }
0x1c: {  	p1 =	slt.u32 s9, $0xF7A;
	s5 =	simm.s32 @!p2 $0x0  }
0x1d: {  	s5 =	simm.s32 @p1 $0x1;
	p0 =	seq.s32 s7, s2  }
0x1e: {  	s7 =	smul.u32 @!p0 $0xF7A, s2;
	p2 =	seq.s32 @!p0 s5, $0x0  }
0x1f: {  	s9 =	smul.u32 $0xF7A, s1;
	s8 =	simm.s32 @!p0 $0x1BF5;
	p2 =	por !p2, p0  }
0x20: {  	[sflag:s8] =	ssyncset.s32 @!p0 $0xFFFFF086;
	s6 =	sadd.s32 @!p0 s3, s7;
	s7 =	simm.s32 @!p0 $0x108  }
0x21: {  	s3 =	sadd.s32 s3, s9;
	s6 =	sadd.s32 @!p0 $0x88, s6;
	s7 =	simm.s32 @p2 $0x1082  }
0x22: {  	[simem:s7], [sflag:s8] =	dma.local @!p0 [hbm:s6], $0xF7A  }
0x23: {  	s9 =	sor.u32 $0xD0000000, s2;
	s6 =	simm.s32 $0x108;
	_ =	swait.ge @!p0 [sflag:s8], $0x0  }
0x24: {  	s3 =	sadd.s32 $0x88, s3;
	s6 =	simm.s32 @!p1 $0x1082;
	[sflag:s4] =	ssyncset.s32 $0xFFFFF086  }
0x25: {  	[simem:s6], [sflag:s4] =	dma.local [hbm:s3], $0xF7A  }
0x26: {  	[smem:$0x3F97] =	sst s1;
	(tag) =	ssettag s2;
	_ =	strace s9  }
0x27: {  	s1 =	sld [smem:$0x3FA7]  }
0x28: {  	s2 =	sld [smem:$0x3FA8]  }
0x29: {  	s4 =	sld [smem:$0x3FAA]  }
0x2a: {  	p0 =	seq.s32 s5, $0x0;
	s5 =	sld [smem:$0x3FAB]  }
0x2b: {  	s6 =	sld [smem:$0x3FAC]  }
0x2c: {  	s7 =	sld [smem:$0x3FAD]  }
0x2d: {  	s3 =	simm.s32 $0x108;
	s8 =	sld [smem:$0x3FAE]  }
0x2e: {  	s3 =	simm.s32 @!p0 $0x1082;
	s9 =	sld [smem:$0x3FAF]  }
0x2f: {  	lr =	sadd.s32 s0, s3;
	s0 =	sld [smem:$0x3FA6]  }
0x30: {  	s3 =	sld [smem:$0x3FA9]  }
0x31: {  	[smem:$0x3FB2] =	sst s10  }
0x32: {  	s10 =	sld [smem:$0x3FB0];
	_ =	sdelay $0x3  }
0x33: {  	p0 =	seq.s32 s10, $0x1;
	s10 =	sld [smem:$0x3FB2];
	_ =	sdelay $0x3  }
0x34: {  	[smem:$0x3FB2] =	sst s10  }
0x35: {  	s10 =	sld [smem:$0x3FB1];
	_ =	sdelay $0x3  }
0x36: {  	p1 =	seq.s32 s10, $0x1;
	s10 =	sld [smem:$0x3FB2];
	_ =	sdelay $0x3  }
0x37: {  	[smem:$0x3FB2] =	sst s10  }
0x38: {  	s10 =	sld [smem:$0x3FB3]  }
0x39: {  	_ = 	snop;
	(pc) =	sbr.ind lr, $3  }
0x3a: {  	_ = 	snop  }
0x3b: {  	_ = 	snop  }
0x3c: {  	p2 =	seq.s32 s10, $0x1;
	s10 =	sld [smem:$0x3FB2]  }
0x3d: {  	_ =	shalt  }
0x3e: {  	_ =	shalt  }
0x3f: {  	_ =	shalt  }
0x40: {  	_ =	shalt  }
0x41: {  	_ =	shalt  }
0x42: {  	_ =	shalt  }
0x43: {  	_ =	shalt  }
0x44: {  	_ =	shalt  }
0x45: {  	_ =	shalt  }
0x46: {  	_ =	shalt  }
0x47: {  	_ =	shalt  }
0x48: {  	_ =	shalt  }
0x49: {  	_ =	shalt  }
0x4a: {  	_ =	shalt  }
0x4b: {  	_ =	shalt  }
0x4c: {  	_ =	shalt  }
0x4d: {  	_ =	shalt  }
0x4e: {  	_ =	shalt  }
0x4f: {  	_ =	shalt  }
0x50: {  	_ =	shalt  }
0x51: {  	_ =	shalt  }
0x52: {  	_ =	shalt  }
0x53: {  	_ =	shalt  }
0x54: {  	_ =	shalt  }
0x55: {  	_ =	shalt  }
0x56: {  	_ =	shalt  }
0x57: {  	_ =	shalt  }
0x58: {  	_ =	shalt  }
0x59: {  	_ =	shalt  }
0x5a: {  	_ =	shalt  }
0x5b: {  	_ =	shalt  }
0x5c: {  	_ =	shalt  }
0x5d: {  	_ =	shalt  }
0x5e: {  	_ =	shalt  }
0x5f: {  	_ =	shalt  }
0x60: {  	_ =	shalt  }
0x61: {  	_ =	shalt  }
0x62: {  	_ =	shalt  }
0x63: {  	_ =	shalt  }
0x64: {  	_ =	shalt  }
0x65: {  	_ =	shalt  }
0x66: {  	_ =	shalt  }
0x67: {  	_ =	shalt  }
0x68: {  	_ =	shalt  }
0x69: {  	_ =	shalt  }
0x6a: {  	_ =	shalt  }
0x6b: {  	_ =	shalt  }
0x6c: {  	_ =	shalt  }
0x6d: {  	_ =	shalt  }
0x6e: {  	_ =	shalt  }
0x6f: {  	_ =	shalt  }
0x70: {  	_ =	shalt  }
0x71: {  	_ =	shalt  }
0x72: {  	_ =	shalt  }
0x73: {  	_ =	shalt  }
0x74: {  	_ =	shalt  }
0x75: {  	_ =	shalt  }
0x76: {  	_ =	shalt  }
0x77: {  	_ =	shalt  }
0x78: {  	_ =	shalt  }
0x79: {  	_ =	shalt  }
0x7a: {  	_ =	shalt  }
0x7b: {  	_ =	shalt  }
0x7c: {  	_ =	shalt  }
0x7d: {  	_ =	shalt  }
0x7e: {  	_ =	shalt  }
0x7f: {  	_ =	shalt  }
0x80: {  	_ =	shalt  }
0x81: {  	_ =	shalt  }
0x82: {  	_ =	shalt  }
0x83: {  	_ =	shalt  }
0x84: {  	_ =	shalt  }
0x85: {  	_ =	shalt  }
0x86: {  	_ =	shalt  }
0x87: {  	_ =	shalt  }
.Lfunc_end0:
.L_simem_size_0:
called_computation_lowered:
.L_overlay_start_0:
0x88: {  	s2 =	sld [smem:$0x3FD9]  }
0x89: {  	s3 =	sld [smem:$0x3FFE];
	_ =	sdelay $0x1  }
0x8a: {  	s1 =	srdreg.scid  }
0x8b: {  	s0 =	sand.u32 $0x1, s1  }
0x8c: {  	s17 =	sshll.u32 s0, $0xA;
	s2 =	sadd.s32 s3, s2  }
0x8d: {  	s2 =	sadd.s32 s2, s17  }
0x8e: {  	[smem:$0x3FBE] =	sst s2  }
0x8f: {  	_ = 	snop  }
0x90: {  	s2 =	sld [smem:$0x3FD0];
	(tm) =	ssettm $0x1  }
0x91: {  	s18 =	sld [smem:$0x3FFB];
	_ =	sdelay $0x3  }
0x92: {  	_ =	strace s18  }
0x93: {  	s3 =	sld [smem:$0x3FFC];
	_ =	sdelay $0x3  }
0x94: {  	_ =	strace s3  }
0x95: {  	s3 =	sld [smem:$0x3FFD];
	_ =	sdelay $0x3  }
0x96: {  	_ =	strace s3  }
0x97: {  	_ =	strace $0x8FFFFFFF  }
0x98: {  	s19 =	sld [smem:$0x3FDB];
	_ =	sdelay $0x1  }
0x99: {  	s4 =	simm.s32 $_scs_section_size  }
0x9a: {  	s5 =	simm.s32 $_size__tile_overlayer_lowered;
	s6 =	simm.s32 $_tile_overlayer_lowered  }
0x9b: {  	s22 =	simm.s32 $0x1BFF;
	s21 =	sshll.u32 s6, $0x1;
	s3 =	sadd.s32 s4, s19  }
0x9c: {  	s7 =	simm.s32 $0x0;
	s20 =	sshll.u32 s5, $0x1;
	s5 =	sadd.s32 s21, s3  }
0x9d: {  	[timem:s7], [sflag:s22] =	dma.local [hbm:s5], s20  }
0x9e: {  	_ =	swait.ge [sflag:s22], s20  }
0x9f: {  	s4 =	ssub.s32 $0x0, s20;
	[sflag:s22] =	ssyncset.done $0x0  }
0xa0: {  	[sflag:s22] =	ssyncadd.s32 s4;
	_ =	sdelay $0x1  }
0xa1: {  	s23 =	simm.s32 $0x1B8B  }
0xa2: {  	_ =	swait.ge [sflag:s23], $0x1  }
0xa3: {  	[sflag:s23] =	ssyncset.done $0x0  }
0xa4: {  	s25 =	simm.s32 $0x1B8E;
	s24 =	sld [smem:$0x3FFE];
	[sflag:s23] =	ssyncadd.s32 $0xFFFFFFFF  }
0xa5: {  	s26 =	simm.s32 $execute0_lowered;
	[smem:$0x3FD2] =	sst s25  }
0xa6: {  	s5 =	sshll.u32 s26, $0x1;
	_ =	strace $0x80000046;
	[dreg:$0x1] =	wrdreg $0xFFFFFFFF  }
0xa7: {  	s28 =	simm.s32 $_size_execute0_lowered;
	s3 =	sadd.s32 s3, s5;
	[dreg:$0x0] =	wrdreg $0x0  }
0xa8: {  	s5 =	sshll.u32 s28, $0x1;
	[dreg:$0x2] =	wrdreg s3  }
0xa9: {  	[dreg:$0x3] =	wrdreg s5  }
0xaa: {  	[dreg:$0x4] =	wrdreg $0xC0  }
0xab: {  	_ =	task [dreg:s7], $0x5FFFF  }
0xac: {  	[dreg:$0x1] =	wrdreg $0xFFFFFFFF  }
0xad: {  	[dreg:$0x0] =	wrdreg $0x60  }
0xae: {  	[dreg:$0x2] =	wrdreg s24  }
0xaf: {  	[dreg:$0x3] =	wrdreg s2  }
0xb0: {  	[dreg:$0x4] =	wrdreg $0x51100  }
0xb1: {  	[dreg:$0x5] =	wrdreg $0x9  }
0xb2: {  	_ =	task.clear_ibuf [dreg:s7], $0x6FFFF;
	_ =	strace $0x90000046  }
0xb3: {  	s29 =	simm.s32 $0x9;
	_ =	strace $0x80000048  }
0xb4: {  	_ =	swait.ge [sflag:s29], $0x1  }
0xb5: {  	[sflag:s29] =	ssyncadd.s32 $0xFFFFFFFF  }
0xb6: {  	_ =	strace $0x90000048  }
0xb7: {  	_ =	sfence  }
0xb8: {  	s30 =	sld [smem:$0x0];
	_ =	sdelay $0x2  }
0xb9: {  	s31 =	sshll.u32 s1, $0xD;
	s1 =	sshrl.u32 s1, $0x2  }
0xba: {  	s3 =	sand.u32 $0x4000, s31;
	s1 =	sadd.s32 s1, s30  }
0xbb: {  	s0 =	sor.u32 s3, s0;
	s1 =	sshll.u32 s1, $0x11  }
0xbc: {  	s0 =	sor.u32 s1, s0  }
0xbd: {  	s0 =	sadd.s32 $0x8F2B, s0  }
0xbe: {  	[sflag:s0] =	ssyncadd.remote.s32 $0x1  }
0xbf: {  	_ =	sfence.sel $0xFFFF  }
0xc0: {  	[dreg:$0x0] =	wrdreg $0xFFFFFFFF;
	(pc) =	sbr.abs _section_cstart, $3  }
0xc1: {  	[dreg:$0x1] =	wrdreg $0xFFFFFFFF  }
0xc2: {  	_ =	task.clear_ibuf [dreg:s7], $0x2FFFF;
	_ =	strace $0x9FFFFFFF  }
0xc3: {  	(tm) =	ssettm $0x7FFFFFFF  }
tec
execute0_lowered:
.L_overlay_start_1:
0x0: {  	(tag) =	ssettag $0x1  }
0x1: {  	s9 =	rddreg [dreg:$0x0]  }
0x2: {  	s1 =	rddreg [dreg:$0x1]  }
0x3: {  	s3 =	rddreg [dreg:$0x2]  }
0x4: {  	s0 =	rddreg [dreg:$0x3];
	s4 =	simm.s32 $0x0  }
0x5: {  	s2 =	stileid.u32;
	s5 =	srdreg.scid;
	s18 =	simm.s32 $0x80  }
0x6: {  	s19 =	simm.s32 $0x100;
	s20 =	simm.s32 $0x4900;
	s21 =	simm.s32 $0x1  }
0x7: {  	s22 =	simm.s32 $0x2;
	s23 =	simm.s32 $0x0;
	[smem:$0x7FF] =	sst s4  }
0x8: {  	s10 =	smul.u32 $0x16800, s2;
	s11 =	sand.u32 $0x1, s5;
	s5 =	sadd.s32 $0xA9000, s9  }
0x9: {  	s6 =	sadd.s32 $0x78000, s9;
	s7 =	sadd.s32 $0xA4000, s9;
	s8 =	sadd.s32 $0x50C00, s9  }
0xa: {  	s16 =	sshll.u32 s2, $0x1;
	s31 =	sshll.u32 s2, $0x6;
	_ =	strace $0x80000047  }
0xb: {  	s12 =	smul.u32 $0x168000, s11;
	s14 =	ssub.s32 $0x2, s11;
	s11 =	sor.u32 s11, s16  }
0xc: {  	s16 =	sor.u32 $0x1C03, s31;
	s13 =	sshrl.u32 s10, $0x3;
	s15 =	sshrl.u32 s14, $0x1  }
0xd: {  	s17 =	sadd.s32 s10, s3;
	s30 =	ssub.s32 $0x9E3, s11;
	s13 =	sadd.s32 s13, s9  }
0xe: {  	s12 =	sadd.s32 s10, s12;
	s14 =	ssub.s32 s14, s15;
	s10 =	sshll.u32 s11, $0x7  }
0xf: {  	s15 =	simm.s32 $0x3;
	s17 =	sshrl.u32 s17, $0x3;
	s12 =	sshrl.u32 s12, $0x3  }
0x10: {  	s12 =	sadd.s32 s12, s9;
	s9 =	sadd.s32 $0xB2E00, s13;
	s13 =	smax.u32 s14, $0x1  }
0x11: {  	s14 =	simm.s32 $0x5100;
	s11 =	sadd.s32 $0xDFE00, s12;
	s12 =	sshrl.u32 s30, $0x5  }
.LBB2_1:
0x12: {  	[tilespmem:s14], [sflag:$0x3] =	stream.linear.gather [hbm4b:s8+s4], $0x10, $0x38;
	[tilespmem:$0x1B910] =	vst v63  }
0x13: {  	_ =	swait.ge [sflag:s15], $0x10  }
0x14: {  	[sflag:s15] =	ssyncset.done $0x0  }
0x15: {  	[sflag:s15] =	ssyncadd.s32 $0xFFFFFFF0  }
0x16: {  	[spmem:s17], [sflag:s16] =	dma.local [hbm:s9], $0x2D00  }
0x17: {  	_ =	swait.ge [sflag:s15], $0x2D00  }
0x18: {  	[sflag:s15] =	ssyncset.done $0x0  }
0x19: {  	[sflag:s15] =	ssyncadd.s32 $0xFFFFD300  }
0x1a: {  	s24 =	simm.s32 $0x0;
	[bflag:$0x0] =	sbarrier.arrive $0xFFFF  }
.LBB2_2:
0x1b: {  	s25 =	sshll.u32 s24, $0xC  }
0x1c: {  	s25 =	sor.u32 s10, s25  }
0x1d: {  	s25 =	sshrl.u32 s25, $0x3  }
0x1e: {  	s26 =	sadd.s32 s5, s25  }
0x1f: {  	[tilespmem:s4], [sflag:$0x3] =	stream.linear.gather [hbm4b:s26+s4], $0x80, $0x38;
	[tilespmem:$0x1B910] =	vst v63  }
0x20: {  	_ =	swait.ge [sflag:s15], $0x80  }
0x21: {  	[sflag:s15] =	ssyncset.done $0x0  }
0x22: {  	s25 =	sadd.s32 s1, s25;
	[sflag:s15] =	ssyncadd.s32 $0xFFFFFF80  }
0x23: {  	[tilespmem:s18], [sflag:$0x3] =	stream.linear.gather [hbm4b:s25+s4], $0x80, $0x38;
	[tilespmem:$0x1B910] =	vst v63  }
0x24: {  	_ =	swait.ge [sflag:s15], $0x80  }
0x25: {  	[sflag:s15] =	ssyncset.done $0x0  }
0x26: {  	[sflag:s15] =	ssyncadd.s32 $0xFFFFFF80  }
0x27: {  	[tilespmem:s19], [sflag:$0x1] =	stream.indirect.gather [hbm4b:s6+s18], $0x90, s4, s18, $0xb8;
	[tilespmem:$0x1B910] =	vst v63  }
0x28: {  	_ = 	snop  }
0x29: {  	[tilespmem:s20], [sflag:$0x2] =	stream.indirect.gather [hbm4b:s7+s18], $0x10, s18, s18, $0xb8;
	[tilespmem:$0x1B910] =	vst v63  }
0x2a: {  	_ =	swait.ge [sflag:s21], $0x4800  }
0x2b: {  	[sflag:s21] =	ssyncset.done $0x0  }
0x2c: {  	[sflag:s21] =	ssyncadd.s32 $0xFFFFB800  }
0x2d: {  	_ =	swait.ge [sflag:s22], $0x800  }
0x2e: {  	[sflag:s22] =	ssyncset.done $0x0  }
0x2f: {  	s25 =	simm.s32 $0x190;
	[sflag:s22] =	ssyncadd.s32 $0xFFFFF800  }
0x30: {  	s26 =	simm.s32 $0x4910;
	v1 =	vld [tilespmem:s25+$0xFFFFFFF0]  }
0x31: {  	v2 =	vld [tilespmem:s26+$0xFFFFFFF0];
	_ =	sdelay $0x4  }
0x32: {  	v0 =	vld [tilespmem:$0x5100];
	v1 =	vadd.f32 v2, v1;
	_ =	sdelay $0x1  }
0x33: {  	v2 =	vmul.f32 $2.000000030e-01, v1;
	_ =	sdelay $0x1  }
0x34: {  	v1 =	vmax.f32 v1, v2  }
0x35: {  	v1 =	vsub.f32 v1, v0;
	_ =	sdelay $0x1  }
0x36: {  	v1 =	vmul.f32 $1.442695020e+00, v1;
	_ =	sdelay $0x1  }
0x37: {  	(erf) = vpow2.f32 v1;
	_ =	sdelay $0x4  }
0x38: {  	v5 =	vld [tilespmem:s25+$0xFFFFFF80]  }
0x39: {  	v6 =	vld [tilespmem:s25+$0xFFFFFFE0]  }
0x3a: {  	v7 =	vld [tilespmem:s25+$0xFFFFFF70]  }
0x3b: {  	v4 =	vld [tilespmem:s25+$0xFFFFFFA0]  }
0x3c: {  	v3 =	vld [tilespmem:s25+$0xFFFFFFD0];
	v10 =	vpop (erf)  }
0x3d: {  	v8 =	vld [tilespmem:s25+$0xFFFFFFB0];
	v5 =	vmul.f32 v10, v5  }
0x3e: {  	v9 =	vld [tilespmem:s25+$0xFFFFFF90];
	[tilespmem:s25+$0xFFFFFFF0] =	vst v10;
	v6 =	vmul.f32 v6, v10  }
0x3f: {  	v11 =	vld [tilespmem:s25+$0xFFFFFFC0];
	v7 =	vmul.f32 v10, v7;
	[tilespmem:s25+$0xFFFFFF80] =	vst v5  }
0x40: {  	v4 =	vmul.f32 v4, v10;
	[tilespmem:s25+$0xFFFFFFE0] =	vst v6  }
0x41: {  	v3 =	vmul.f32 v3, v10;
	[tilespmem:s25+$0xFFFFFF70] =	vst v7  }
0x42: {  	v5 =	vmul.f32 v8, v10;
	[tilespmem:s25+$0xFFFFFFA0] =	vst v4  }
0x43: {  	v6 =	vmul.f32 v10, v9;
	[tilespmem:s25+$0xFFFFFFD0] =	vst v3  }
0x44: {  	v4 =	vmul.f32 v11, v10;
	[tilespmem:s25+$0xFFFFFFB0] =	vst v5  }
0x45: {  	[tilespmem:s25+$0xFFFFFF90] =	vst v6  }
0x46: {  	v3 =	vld [tilespmem:s25+$0x80];
	[tilespmem:s25+$0xFFFFFFC0] =	vst v4  }
0x47: {  	v4 =	vld [tilespmem:s26+$0x0];
	_ =	sdelay $0x4  }
0x48: {  	v3 =	vadd.f32 v4, v3;
	_ =	sdelay $0x1  }
0x49: {  	v4 =	vmul.f32 $2.000000030e-01, v3;
	_ =	sdelay $0x1  }
0x4a: {  	v3 =	vmax.f32 v3, v4  }
0x4b: {  	v3 =	vsub.f32 v3, v0;
	_ =	sdelay $0x1  }
0x4c: {  	v4 =	vmul.f32 $1.442695020e+00, v3;
	_ =	sdelay $0x1  }
0x4d: {  	(erf) = vpow2.f32 v4  }
0x4e: {  	v2 =	vld [tilespmem:s25+$0x10]  }
0x4f: {  	v1 =	vld [tilespmem:s25+$0x0]  }
0x50: {  	v3 =	vld [tilespmem:s25+$0x50]  }
0x51: {  	s28 =	simm.s32 $0x0;
	s29 =	simm.s32 $0x190;
	v4 =	vld [tilespmem:s25+$0x30]  }
.LBB2_3:
0x52: {  	s28 =	sadd.s32 $0x2, s28;
	v5 =	vld [tilespmem:s25+$0x70];
	s26 =	sadd.s32 $0x20, s26;
	s29 =	sadd.s32 $0x120, s29  }
0x53: {  	p0 =	slt.u32 s28, $0x7E;
	v6 =	vld [tilespmem:s25+$0x20]  }
0x54: {  	v7 =	vld [tilespmem:s25+$0x40]  }
0x55: {  	v8 =	vld [tilespmem:s25+$0x60]  }
0x56: {  	v9 =	vpop (erf)  }
0x57: {  	[tilespmem:s25+$0x80] =	vst v9;
	v1 =	vmul.f32 v9, v1;
	v2 =	vmul.f32 v9, v2  }
0x58: {  	v4 =	vmul.f32 v4, v9;
	v6 =	vmul.f32 v9, v6  }
0x59: {  	v3 =	vmul.f32 v3, v9;
	[tilespmem:s25+$0x0] =	vst v1;
	v7 =	vmul.f32 v7, v9  }
0x5a: {  	v5 =	vmul.f32 v5, v9;
	v1 =	vld [tilespmem:s29+$0x0];
	[tilespmem:s25+$0x10] =	vst v2;
	v8 =	vmul.f32 v8, v9  }
0x5b: {  	v2 =	vld [tilespmem:s29+$0x10];
	[tilespmem:s25+$0x30] =	vst v4  }
0x5c: {  	[tilespmem:s25+$0x40] =	vst v7  }
0x5d: {  	[tilespmem:s25+$0x50] =	vst v3  }
0x5e: {  	[tilespmem:s25+$0x20] =	vst v6  }
0x5f: {  	[tilespmem:s25+$0x70] =	vst v5  }
0x60: {  	v3 =	vld [tilespmem:s29+$0xFFFFFFF0];
	[tilespmem:s25+$0x60] =	vst v8;
	s25 =	smov.u32 s29  }
0x61: {  	v4 =	vld [tilespmem:s26+$0xFFFFFFF0];
	_ =	sdelay $0x4  }
0x62: {  	v3 =	vadd.f32 v4, v3;
	_ =	sdelay $0x1  }
0x63: {  	v4 =	vmul.f32 $2.000000030e-01, v3;
	_ =	sdelay $0x1  }
0x64: {  	v3 =	vmax.f32 v3, v4  }
0x65: {  	v3 =	vsub.f32 v3, v0;
	_ =	sdelay $0x1  }
0x66: {  	v3 =	vmul.f32 $1.442695020e+00, v3;
	_ =	sdelay $0x1  }
0x67: {  	(erf) = vpow2.f32 v3  }
0x68: {  	v3 =	vld [tilespmem:s29+$0xFFFFFFD0]  }
0x69: {  	v4 =	vld [tilespmem:s29+$0xFFFFFFA0]  }
0x6a: {  	v5 =	vld [tilespmem:s29+$0xFFFFFFB0]  }
0x6b: {  	v6 =	vld [tilespmem:s29+$0xFFFFFFE0]  }
0x6c: {  	v7 =	vld [tilespmem:s29+$0xFFFFFF80]  }
0x6d: {  	v8 =	vld [tilespmem:s29+$0xFFFFFF70]  }
0x6e: {  	v9 =	vld [tilespmem:s29+$0xFFFFFF90]  }
0x6f: {  	v10 =	vld [tilespmem:s29+$0xFFFFFFC0]  }
0x70: {  	v11 =	vpop (erf)  }
0x71: {  	[tilespmem:s29+$0xFFFFFFF0] =	vst v11;
	v7 =	vmul.f32 v11, v7;
	v6 =	vmul.f32 v6, v11  }
0x72: {  	v5 =	vmul.f32 v5, v11;
	v8 =	vmul.f32 v11, v8  }
0x73: {  	v4 =	vmul.f32 v4, v11;
	[tilespmem:s29+$0xFFFFFF80] =	vst v7;
	v7 =	vmul.f32 v11, v9  }
0x74: {  	v3 =	vmul.f32 v3, v11;
	v9 =	vmul.f32 v10, v11;
	[tilespmem:s29+$0xFFFFFFE0] =	vst v6  }
0x75: {  	[tilespmem:s29+$0xFFFFFF70] =	vst v8  }
0x76: {  	[tilespmem:s29+$0xFFFFFFA0] =	vst v4  }
0x77: {  	[tilespmem:s29+$0xFFFFFFB0] =	vst v5  }
0x78: {  	[tilespmem:s29+$0xFFFFFF90] =	vst v7  }
0x79: {  	[tilespmem:s29+$0xFFFFFFD0] =	vst v3  }
0x7a: {  	[tilespmem:s29+$0xFFFFFFC0] =	vst v9;
	v3 =	vld [tilespmem:s29+$0x80]  }
0x7b: {  	v4 =	vld [tilespmem:s26+$0x0];
	_ =	sdelay $0x4  }
0x7c: {  	v3 =	vadd.f32 v4, v3;
	_ =	sdelay $0x1  }
0x7d: {  	v4 =	vmul.f32 $2.000000030e-01, v3;
	_ =	sdelay $0x1  }
0x7e: {  	v3 =	vmax.f32 v3, v4  }
0x7f: {  	v3 =	vsub.f32 v3, v0;
	_ =	sdelay $0x1  }
0x80: {  	v3 =	vmul.f32 $1.442695020e+00, v3;
	_ =	sdelay $0x1  }
.Ltmp0:
0x81: {  	(erf) = vpow2.f32 v3;
	(pc) =	sbr.rel @p0 .LBB2_3-.Ltmp0, $3  }
0x82: {  	_ =	sdelay $0x1  }
0x83: {  	v3 =	vld [tilespmem:s29+$0x50]  }
0x84: {  	v4 =	vld [tilespmem:s29+$0x30]  }
0x85: {  	_ =	sdelay $0x2  }
0x86: {  	v5 =	vld [tilespmem:s25+$0x40]  }
0x87: {  	v7 =	vpop (erf)  }
0x88: {  	v6 =	vld [tilespmem:s25+$0x20];
	v1 =	vmul.f32 v7, v1  }
0x89: {  	v0 =	vld [tilespmem:s25+$0x70];
	[tilespmem:s25+$0x80] =	vst v7;
	v2 =	vmul.f32 v7, v2  }
0x8a: {  	v8 =	vld [tilespmem:s25+$0x60];
	v4 =	vmul.f32 v4, v7;
	[tilespmem:s25+$0x0] =	vst v1  }
0x8b: {  	v60 =	vmul.f32 v5, v7;
	[tilespmem:s25+$0x10] =	vst v2  }
0x8c: {  	v61 =	vmul.f32 v3, v7;
	[tilespmem:s25+$0x30] =	vst v4  }
0x8d: {  	v62 =	vmul.f32 v7, v6;
	[tilespmem:s25+$0x40] =	vst v60  }
0x8e: {  	v0 =	vmul.f32 v0, v7;
	[tilespmem:s25+$0x50] =	vst v61  }
0x8f: {  	s24 =	sadd.s32 $0x1, s24;
	v63 =	vmul.f32 v8, v7;
	[tilespmem:s25+$0x20] =	vst v62  }
0x90: {  	p0 =	sne.s32 s24, s12;
	[tilespmem:s25+$0x70] =	vst v0  }
.Ltmp1:
0x91: {  	[tilespmem:s25+$0x60] =	vst v63;
	(pc) =	sbr.rel @p0 .LBB2_2-.Ltmp1, $4  }
0x92: {  	[spmem:s3] =	stream.indirect.scatter.add.f32 [tilespmem:s19], [sflag:$0x3], $0x90, s18, s18, $0xb8;
	[tilespmem:$0x1B910] =	vst v63  }
0x93: {  	_ =	swait.ge [sflag:s15], $0x4800  }
0x94: {  	[sflag:s15] =	ssyncset.done $0x0  }
0x95: {  	[sflag:s15] =	ssyncadd.s32 $0xFFFFB800  }
0x96: {  	s23 =	sadd.s32 $0x1, s23  }
0x97: {  	p0 =	sne.s32 s23, s13  }
.Ltmp2:
0x98: {  	[bflag:$0x0] =	sbarrier.arrive $0xFFFF;
	(pc) =	sbr.rel @p0 .LBB2_1-.Ltmp2, $4  }
0x99: {  	[hbm:s11], [sflag:s16] =	dma.local [spmem:s17], $0x2D00  }
0x9a: {  	_ =	swait.ge [sflag:s15], $0x2D00  }
0x9b: {  	[sflag:s15] =	ssyncset.done $0x0  }
0x9c: {  	[sflag:s15] =	ssyncadd.s32 $0xFFFFD300  }
0x9d: {  	_ =	sfence.sel $0x180000  }
0x9e: {  	[bflag:$0x0] =	sbarrier.arrive $0xFFFF  }
0x9f: {  	p0 =	sne.s32 s2, $0x0;
	_ =	strace $0x90000047  }
0xa0: {  	s0 =	sadd.s32 @!p0 $0x100000, s0;
	[bflag:$0x2] =	sbarrier.arrive $0xFFFF  }
0xa1: {  	[sflag:s0] =	ssyncadd.tile.s32 @!p0 $0x1;
	_ =	shalt  }
.Lfunc_end2:
_tile_overlayer_lowered:
.L_overlay_start_2:
0xa2: {  	(tag) =	ssettag $0x2  }
0xa3: {  	s0 =	rddreg [dreg:$0x0];
	s2 =	stileid.u32  }
0xa4: {  	s1 =	rddreg [dreg:$0x1];
	p0 =	sne.s32 s2, $0x0  }
0xa5: {  	s3 =	rddreg [dreg:$0x2];
	[bflag:$0x3] =	sbarrier.arrive $0xFFFF;
	s2 =	simm.s32 @!p0 $0x1C03  }
0xa6: {  	[timem:s3], [sflag:s2] =	dma.local @!p0 [hbm:s0], s1  }
0xa7: {  	s0 =	simm.s32 @!p0 $0x3  }
0xa8: {  	_ =	swait.ge @!p0 [sflag:s0], s1  }
0xa9: {  	s1 =	ssub.s32 @!p0 $0x0, s1;
	[sflag:s0] =	ssyncset.done @!p0 $0x0  }
0xaa: {  	[sflag:s0] =	ssyncadd.s32 @!p0 s1  }
0xab: {  	[bflag:$0x3] =	sbarrier.arrive $0xFFFF  }
0xac: {  	_ =	shalt  }

</sc_bundles>
